<compile_context>
chip_gen: v7x
topology: tpu7x:2x2x1
jax: 0.10.2.dev20260603
libtpu: 0.0.44.dev20260713+nightly
codegen_flags: <defaults>
</compile_context>

<pallas_src>
import functools

import jax
import jax.numpy as jnp
from jax import lax
from jax.experimental import pallas as pl
from jax.experimental.pallas import tpu as pltpu
from jax.experimental.pallas import tpu_sc as plsc

NC = 2
NS = 16
NW = NC * NS
CHUNK = 128


def _sc_gather_body(nchunks, r2e_hbm, idx_hbm, u2e_hbm, nodes_hbm,
                    e_ur_hbm, urep_hbm, idx_v, nidx_v, buf_a, buf_b,
                    ubuf, gsem_a, gsem_b, usem):
  wid = lax.axis_index("s") * NC + lax.axis_index("c")
  rows_per_w = nchunks * CHUNK
  base = pl.multiple_of(wid * rows_per_w, CHUNK)

  pltpu.sync_copy(idx_hbm.at[wid], idx_v)
  pltpu.sync_copy(nodes_hbm.at[wid], nidx_v)

  ucopy = pltpu.async_copy(u2e_hbm.at[nidx_v], ubuf, usem)

  first = pltpu.async_copy(r2e_hbm.at[idx_v.at[0]], buf_a, gsem_a)

  def step(j, _):
    even = (j % 2) == 0

    @pl.when(jnp.logical_and(even, j + 1 < nchunks))
    def _():
      pltpu.async_copy(r2e_hbm.at[idx_v.at[j + 1]], buf_b, gsem_b)

    @pl.when(jnp.logical_and(jnp.logical_not(even), j + 1 < nchunks))
    def _():
      pltpu.async_copy(r2e_hbm.at[idx_v.at[j + 1]], buf_a, gsem_a)

    row0 = pl.multiple_of(base + j * CHUNK, CHUNK)

    @pl.when(even)
    def _():
      pltpu.make_async_copy(r2e_hbm.at[idx_v.at[0]], buf_a, gsem_a).wait()
      pltpu.sync_copy(buf_a, e_ur_hbm.at[pl.ds(row0, CHUNK)])

    @pl.when(jnp.logical_not(even))
    def _():
      pltpu.make_async_copy(r2e_hbm.at[idx_v.at[0]], buf_b, gsem_b).wait()
      pltpu.sync_copy(buf_b, e_ur_hbm.at[pl.ds(row0, CHUNK)])

    return 0

  lax.fori_loop(0, nchunks, step, 0)
  del first

  ucopy.wait()
  ubase = pl.multiple_of(wid * CHUNK, CHUNK)
  pltpu.sync_copy(ubuf, urep_hbm.at[pl.ds(ubase, CHUNK)])


def _sc_gather(r2e_w, idx3, u2e_w, nodes2):
  nw, nchunks, _ = idx3.shape
  bl = nw * nchunks * CHUNK
  b = nodes2.shape[0] * nodes2.shape[1]
  d = r2e_w.shape[1]
  mesh = plsc.VectorSubcoreMesh(core_axis_name="c", subcore_axis_name="s",
                                num_cores=NC, num_subcores=NS)
  f = pl.kernel(
      functools.partial(_sc_gather_body, nchunks),
      out_type=(jax.ShapeDtypeStruct((bl, d), jnp.float32),
                jax.ShapeDtypeStruct((b, d), jnp.float32)),
      mesh=mesh,
      compiler_params=pltpu.CompilerParams(use_tc_tiling_on_sc=False),
      scratch_types=[
          pltpu.VMEM((nchunks, CHUNK), jnp.int32),
          pltpu.VMEM((CHUNK,), jnp.int32),
          pltpu.VMEM((CHUNK, d), jnp.float32),
          pltpu.VMEM((CHUNK, d), jnp.float32),
          pltpu.VMEM((CHUNK, d), jnp.float32),
          pltpu.SemaphoreType.DMA,
          pltpu.SemaphoreType.DMA,
          pltpu.SemaphoreType.DMA,
      ],
  )
  return f(r2e_w, idx3, u2e_w, nodes2)


def _tc_body(L, R, e_ref, rid_ref, u_ref, rat_ref, w1_ref, b1_ref, w2_ref,
             b2_ref, a1w_ref, a1b_ref, a2w_ref, a2b_ref, a3r_ref, out_ref):
  d = e_ref.shape[1]
  rows = e_ref.shape[0]
  bb = rows // L

  e = e_ref[...]
  rid = rid_ref[...]
  w1a = w1_ref[0:d, :]
  w1b = w1_ref[d:2 * d, :]

  m1 = jnp.dot(rat_ref[...], w1b, preferred_element_type=jnp.float32)
  m1 = m1 + b1_ref[...]
  er = jnp.zeros((rows, d), jnp.float32)
  for r in range(R):
    er = er + jnp.where(rid == r, m1[r:r + 1, :], 0.0)

  x = jnp.maximum(
      jnp.dot(e, w1a, preferred_element_type=jnp.float32) + er, 0.0)
  o = jnp.maximum(
      jnp.dot(x, w2_ref[...], preferred_element_type=jnp.float32)
      + b2_ref[...], 0.0)

  u = u_ref[...]
  a1wa = a1w_ref[0:d, :]
  a1wb = a1w_ref[d:2 * d, :]
  uproj = jnp.dot(u, a1wb, preferred_element_type=jnp.float32)

  rgrp = lax.broadcasted_iota(jnp.int32, (rows, bb), 0) // L
  cidx = lax.broadcasted_iota(jnp.int32, (rows, bb), 1)
  P = (rgrp == cidx).astype(jnp.float32)
  rgrp_t = lax.broadcasted_iota(jnp.int32, (bb, rows), 1) // L
  cidx_t = lax.broadcasted_iota(jnp.int32, (bb, rows), 0)
  Q = (rgrp_t == cidx_t).astype(jnp.float32)

  a1 = jnp.maximum(
      jnp.dot(o, a1wa, preferred_element_type=jnp.float32)
      + jnp.dot(P, uproj, preferred_element_type=jnp.float32)
      + a1b_ref[...], 0.0)
  a2 = jnp.maximum(
      jnp.dot(a1, a2w_ref[...], preferred_element_type=jnp.float32)
      + a2b_ref[...], 0.0)

  logit = jnp.sum(a2 * a3r_ref[...], axis=1, keepdims=True)
  gmax = jnp.max(logit)
  ex = jnp.broadcast_to(jnp.exp(logit - gmax), (rows, d))
  den = jnp.dot(P, jnp.dot(Q, ex, preferred_element_type=jnp.float32),
                preferred_element_type=jnp.float32)
  wgt = ex / den

  out_ref[...] = jnp.dot(Q, o * wgt, preferred_element_type=jnp.float32)


def _tc_dense(e_ur, rid, ur_rep, rat_w, w1, b1, w2, b2, a1w, a1b, a2w, a2b,
              a3r, L, BB):
  bl, d = e_ur.shape
  b = ur_rep.shape[0]
  nblk = b // BB
  rows = BB * L
  R = rat_w.shape[0]

  full = lambda shape: pl.BlockSpec(shape, lambda i: (0, 0))
  return pl.pallas_call(
      functools.partial(_tc_body, L, R),
      grid=(nblk,),
      in_specs=[
          pl.BlockSpec((rows, d), lambda i: (i, 0)),
          pl.BlockSpec((rows, 1), lambda i: (i, 0)),
          pl.BlockSpec((BB, d), lambda i: (i, 0)),
          full(rat_w.shape),
          full(w1.shape),
          full(b1.shape),
          full(w2.shape),
          full(b2.shape),
          full(a1w.shape),
          full(a1b.shape),
          full(a2w.shape),
          full(a2b.shape),
          full(a3r.shape),
      ],
      out_specs=pl.BlockSpec((BB, d), lambda i: (i, 0)),
      out_shape=jax.ShapeDtypeStruct((b, d), jnp.float32),
  )(e_ur, rid, ur_rep, rat_w, w1, b1, w2, b2, a1w, a1b, a2w, a2b, a3r)


def kernel(nodes, ur_history_lists, rating_history_lists, u2e_w, r2e_w,
           rating2e_w, w_r1_w, w_r1_b, w_r2_w, w_r2_b, att1_w, att1_b,
           att2_w, att2_b, att3_w, att3_b):
  B, L = ur_history_lists.shape
  D = u2e_w.shape[1]
  BL = B * L
  nchunks = BL // (NW * CHUNK)

  idx3 = ur_history_lists.astype(jnp.int32).reshape(NW, nchunks, CHUNK)
  nodes2 = nodes.astype(jnp.int32).reshape(NW, B // NW)
  e_ur, ur_rep = _sc_gather(r2e_w, idx3, u2e_w, nodes2)

  rid = rating_history_lists.astype(jnp.int32).reshape(BL, 1)
  return _tc_dense(
      e_ur, rid, ur_rep, rating2e_w,
      w_r1_w, w_r1_b.reshape(1, D), w_r2_w, w_r2_b.reshape(1, D),
      att1_w, att1_b.reshape(1, D), att2_w, att2_b.reshape(1, D),
      att3_w.reshape(1, D), L=L, BB=128)

# --- scband reference (transcript-rebuilt; emitter-appended) ---
"""Pipeline reference for scband-u-r-aggregation-12283606466575 (READ-ONLY COPY).

The authoritative reference and input builder live on the scoring server;
editing this copy changes nothing except your own understanding.
"""

import jax, jax.numpy as jnp
import numpy as np

B = 4096
L = 50
V = 1000000
R = 5
D = 32


def setup_inputs(seed: int = 0) -> dict:
    key = jax.random.key(seed)
    ks = jax.random.split(key, 16)
    s = 0.02
    return {
        "nodes": jax.random.randint(ks[0], (B,), 0, V),
        "ur_history_lists": jax.random.randint(ks[1], (B, L), 0, V),
        "rating_history_lists": jax.random.randint(ks[2], (B, L), 0, R),
        "u2e_w": jax.random.normal(ks[3], (V, D), jnp.float32) * s,
        "r2e_w": jax.random.normal(ks[4], (V, D), jnp.float32) * s,
        "rating2e_w": jax.random.normal(ks[5], (R, D), jnp.float32) * s,
        "w_r1_w": jax.random.normal(ks[6], (2 * D, D), jnp.float32) * s,
        "w_r1_b": jnp.zeros((D,), jnp.float32),
        "w_r2_w": jax.random.normal(ks[7], (D, D), jnp.float32) * s,
        "w_r2_b": jnp.zeros((D,), jnp.float32),
        "att1_w": jax.random.normal(ks[8], (2 * D, D), jnp.float32) * s,
        "att1_b": jnp.zeros((D,), jnp.float32),
        "att2_w": jax.random.normal(ks[9], (D, D), jnp.float32) * s,
        "att2_b": jnp.zeros((D,), jnp.float32),
        "att3_w": jax.random.normal(ks[10], (D, 1), jnp.float32) * s,
        "att3_b": jnp.zeros((1,), jnp.float32),
    }


def reference(nodes, ur_history_lists, rating_history_lists, u2e_w, r2e_w,
              rating2e_w, w_r1_w, w_r1_b, w_r2_w, w_r2_b, att1_w, att1_b,
              att2_w, att2_b, att3_w, att3_b):
    # ur == True branch: neighbor embeddings from r2e, center rep from u2e.
    e_ur = jnp.take(r2e_w, ur_history_lists, axis=0)          # [B, L, D]
    ur_rep = jnp.take(u2e_w, nodes, axis=0)                   # [B, D]
    e_rating = jnp.take(rating2e_w, rating_history_lists, axis=0)  # [B, L, D]
    x = jnp.concatenate([e_ur, e_rating], axis=-1)            # [B, L, 2D]
    x = jax.nn.relu(x @ w_r1_w + w_r1_b)
    o_history = jax.nn.relu(x @ w_r2_w + w_r2_b)              # [B, L, D]
    # Attention(o_history, ur_rep, L): GraphRec-style 2-layer MLP attention
    u_rep_b = jnp.broadcast_to(ur_rep[:, None, :], (o_history.shape[0], o_history.shape[1], ur_rep.shape[-1]))
    a = jnp.concatenate([o_history, u_rep_b], axis=-1)        # [B, L, 2D]
    a = jax.nn.relu(a @ att1_w + att1_b)
    a = jax.nn.relu(a @ att2_w + att2_b)
    a = a @ att3_w + att3_b                                   # [B, L, 1]
    att_w = jax.nn.softmax(a, axis=1)                         # softmax over history
    # torch.mm(o_history.t(), att_w).t() == weighted sum over history
    att_history = jnp.sum(o_history * att_w, axis=1)          # [B, D]
    return att_history

if __name__ == "__main__":
    import jax
    _d = setup_inputs()
    print(jax.jit(kernel)(*tuple(_d.values())))

</pallas_src>

<mosaic_0001>
#map = affine_map<(d0, d1) -> (0, 0)>
#map1 = affine_map<(d0, d1) -> (0, 0, 0)>
module attributes {stable_mosaic.version = 14 : i64} {
  func.func @_sc_gather_body(%arg0: i32, %arg1: i32, %arg2: memref<1000000x32xf32, #tpu.memory_space<hbm>>, %arg3: memref<32x50x128xi32, #tpu.memory_space<hbm>>, %arg4: memref<1000000x32xf32, #tpu.memory_space<hbm>>, %arg5: memref<32x128xi32, #tpu.memory_space<hbm>>, %arg6: memref<204800x32xf32, #tpu.memory_space<hbm>>, %arg7: memref<4096x32xf32, #tpu.memory_space<hbm>>, %arg8: memref<50x128xi32, #tpu.memory_space<vmem>>, %arg9: memref<128xi32, #tpu.memory_space<vmem>>, %arg10: memref<128x32xf32, #tpu.memory_space<vmem>>, %arg11: memref<128x32xf32, #tpu.memory_space<vmem>>, %arg12: memref<128x32xf32, #tpu.memory_space<vmem>>, %arg13: memref<!tpu.dma_semaphore, #tpu.memory_space<semaphore_mem>>, %arg14: memref<!tpu.dma_semaphore, #tpu.memory_space<semaphore_mem>>, %arg15: memref<!tpu.dma_semaphore, #tpu.memory_space<semaphore_mem>>) attributes {dimension_semantics = [#tpu.dimension_semantics<core_parallel>, #tpu.dimension_semantics<subcore_parallel>], iteration_bounds = array<i64: 2, 16>, scalar_prefetch = 0 : i64, scratch_operands = 8 : i64, tpu.core_type = #tpu.core_type<sc_vector_subcore>, window_params = [{transform_indices = #map}, {transform_indices = #map1}, {transform_indices = #map}, {transform_indices = #map}, {transform_indices = #map}, {transform_indices = #map}]} {
    %mul3A = arith.constant 2 : i32
    %mul3A_0 = arith.muli %arg1, %mul3A : i32
    %add3A = arith.addi %mul3A_0, %arg0 : i32
    %mul3A_1 = arith.constant 6400 : i32
    %mul3A_2 = arith.muli %add3A, %mul3A_1 : i32
    %multiple_of3A = tpu.assume_multiple %mul3A_2, 128 : i32
    "tpu.region"() ({
      %run_scoped3A = tpu.sem_alloc : memref<!tpu.dma_semaphore, #tpu.memory_space<semaphore_mem>>
      %dma_start3A_23 = arith.constant 0 : i32
      %dma_start3A_24 = arith.constant 0 : i32
      %dma_start3A_25 = tpu.memref_slice %arg3[%add3A, %dma_start3A_23, %dma_start3A_24] : memref<32x50x128xi32, #tpu.memory_space<hbm>> -> memref<1x50x128xi32, #tpu.memory_space<hbm>>
      %dma_start3A_26 = tpu.memref_squeeze %dma_start3A_25 : memref<1x50x128xi32, #tpu.memory_space<hbm>> -> memref<50x128xi32, #tpu.memory_space<hbm>>
      %dma_start3A_27 = arith.constant 0 : i32
      %dma_start3A_28 = arith.constant 0 : i32
      %dma_start3A_29 = tpu.memref_slice %arg3[%add3A, %dma_start3A_27, %dma_start3A_28] : memref<32x50x128xi32, #tpu.memory_space<hbm>> -> memref<1x50x128xi32, #tpu.memory_space<hbm>>
      %dma_start3A_30 = tpu.memref_squeeze %dma_start3A_29 : memref<1x50x128xi32, #tpu.memory_space<hbm>> -> memref<50x128xi32, #tpu.memory_space<hbm>>
      tpu.enqueue_dma source(%dma_start3A_30 : memref<50x128xi32, #tpu.memory_space<hbm>>) target(%arg8 : memref<50x128xi32, #tpu.memory_space<vmem>>) target_semaphore(%run_scoped3A : memref<!tpu.dma_semaphore, #tpu.memory_space<semaphore_mem>>)
      %dma_wait3A_31 = arith.constant 0 : i32
      %dma_wait3A_32 = arith.constant 0 : i32
      %dma_wait3A_33 = tpu.memref_slice %arg3[%add3A, %dma_wait3A_31, %dma_wait3A_32] : memref<32x50x128xi32, #tpu.memory_space<hbm>> -> memref<1x50x128xi32, #tpu.memory_space<hbm>>
      %dma_wait3A_34 = tpu.memref_squeeze %dma_wait3A_33 : memref<1x50x128xi32, #tpu.memory_space<hbm>> -> memref<50x128xi32, #tpu.memory_space<hbm>>
      %dma_wait3A_35 = arith.constant 0 : i32
      %dma_wait3A_36 = arith.constant 0 : i32
      %dma_wait3A_37 = tpu.memref_slice %arg3[%add3A, %dma_wait3A_35, %dma_wait3A_36] : memref<32x50x128xi32, #tpu.memory_space<hbm>> -> memref<1x50x128xi32, #tpu.memory_space<hbm>>
      %dma_wait3A_38 = tpu.memref_squeeze %dma_wait3A_37 : memref<1x50x128xi32, #tpu.memory_space<hbm>> -> memref<50x128xi32, #tpu.memory_space<hbm>>
      tpu.wait_dma2 semaphore(%run_scoped3A : memref<!tpu.dma_semaphore, #tpu.memory_space<semaphore_mem>>) src(%dma_wait3A_38 : memref<50x128xi32, #tpu.memory_space<hbm>>) dst(%arg8 : memref<50x128xi32, #tpu.memory_space<vmem>>)
      tpu.yield
    }) : () -> ()
    "tpu.region"() ({
      %run_scoped3A = tpu.sem_alloc : memref<!tpu.dma_semaphore, #tpu.memory_space<semaphore_mem>>
      %dma_start3A_23 = arith.constant 0 : i32
      %dma_start3A_24 = tpu.memref_slice %arg5[%add3A, %dma_start3A_23] : memref<32x128xi32, #tpu.memory_space<hbm>> -> memref<1x128xi32, #tpu.memory_space<hbm>>
      %dma_start3A_25 = tpu.memref_squeeze %dma_start3A_24 : memref<1x128xi32, #tpu.memory_space<hbm>> -> memref<128xi32, #tpu.memory_space<hbm>>
      %dma_start3A_26 = arith.constant 0 : i32
      %dma_start3A_27 = tpu.memref_slice %arg5[%add3A, %dma_start3A_26] : memref<32x128xi32, #tpu.memory_space<hbm>> -> memref<1x128xi32, #tpu.memory_space<hbm>>
      %dma_start3A_28 = tpu.memref_squeeze %dma_start3A_27 : memref<1x128xi32, #tpu.memory_space<hbm>> -> memref<128xi32, #tpu.memory_space<hbm>>
      tpu.enqueue_dma source(%dma_start3A_28 : memref<128xi32, #tpu.memory_space<hbm>>) target(%arg9 : memref<128xi32, #tpu.memory_space<vmem>>) target_semaphore(%run_scoped3A : memref<!tpu.dma_semaphore, #tpu.memory_space<semaphore_mem>>)
      %dma_wait3A_29 = arith.constant 0 : i32
      %dma_wait3A_30 = tpu.memref_slice %arg5[%add3A, %dma_wait3A_29] : memref<32x128xi32, #tpu.memory_space<hbm>> -> memref<1x128xi32, #tpu.memory_space<hbm>>
      %dma_wait3A_31 = tpu.memref_squeeze %dma_wait3A_30 : memref<1x128xi32, #tpu.memory_space<hbm>> -> memref<128xi32, #tpu.memory_space<hbm>>
      %dma_wait3A_32 = arith.constant 0 : i32
      %dma_wait3A_33 = tpu.memref_slice %arg5[%add3A, %dma_wait3A_32] : memref<32x128xi32, #tpu.memory_space<hbm>> -> memref<1x128xi32, #tpu.memory_space<hbm>>
      %dma_wait3A_34 = tpu.memref_squeeze %dma_wait3A_33 : memref<1x128xi32, #tpu.memory_space<hbm>> -> memref<128xi32, #tpu.memory_space<hbm>>
      tpu.wait_dma2 semaphore(%run_scoped3A : memref<!tpu.dma_semaphore, #tpu.memory_space<semaphore_mem>>) src(%dma_wait3A_34 : memref<128xi32, #tpu.memory_space<hbm>>) dst(%arg9 : memref<128xi32, #tpu.memory_space<vmem>>)
      tpu.yield
    }) : () -> ()
    %dma_start3A = arith.constant 0 : i32
    %dma_start3A_3 = arith.constant 0 : i32
    %dma_start3A_4 = tpu.memref_slice %arg4[%dma_start3A, %dma_start3A_3] : memref<1000000x32xf32, #tpu.memory_space<hbm>> -> memref<1000000x32xf32, #tpu.memory_space<hbm>>
    tpu.enqueue_indirect_dma source(%dma_start3A_4 : memref<1000000x32xf32, #tpu.memory_space<hbm>>) target(%arg12 : memref<128x32xf32, #tpu.memory_space<vmem>>) offsets(%arg9 : memref<128xi32, #tpu.memory_space<vmem>>) semaphore(%arg15 : memref<!tpu.dma_semaphore, #tpu.memory_space<semaphore_mem>>)
    %dma_start3A_5 = arith.constant 0 : i32
    %dma_start3A_6 = arith.constant 0 : i32
    %dma_start3A_7 = tpu.memref_slice %arg8[%dma_start3A_5, %dma_start3A_6] : memref<50x128xi32, #tpu.memory_space<vmem>> -> memref<1x128xi32, #tpu.memory_space<vmem>>
    %dma_start3A_8 = tpu.memref_squeeze %dma_start3A_7 : memref<1x128xi32, #tpu.memory_space<vmem>> -> memref<128xi32, #tpu.memory_space<vmem>>
    %dma_start3A_9 = arith.constant 0 : i32
    %dma_start3A_10 = arith.constant 0 : i32
    %dma_start3A_11 = tpu.memref_slice %arg2[%dma_start3A_9, %dma_start3A_10] : memref<1000000x32xf32, #tpu.memory_space<hbm>> -> memref<1000000x32xf32, #tpu.memory_space<hbm>>
    tpu.enqueue_indirect_dma source(%dma_start3A_11 : memref<1000000x32xf32, #tpu.memory_space<hbm>>) target(%arg10 : memref<128x32xf32, #tpu.memory_space<vmem>>) offsets(%dma_start3A_8 : memref<128xi32, #tpu.memory_space<vmem>>) semaphore(%arg13 : memref<!tpu.dma_semaphore, #tpu.memory_space<semaphore_mem>>)
    %scan3A = arith.constant 0 : i32
    %scan3A_12 = arith.constant 0 : i32
    %scan3A_13 = arith.constant 50 : i32
    %scan3A_14 = arith.addi %scan3A_12, %scan3A_13 : i32
    %scan3A_15 = arith.constant 1 : i32
    %scan3A_16 = scf.for %scan3A_23 = %scan3A_12 to %scan3A_14 step %scan3A_15 iter_args(%scan3A_24 = %scan3A) -> (i32)  : i32 {
      %jit3A = arith.constant 2 : i32
      %eq3A = arith.constant 0 : i32
      %eq3A_25 = arith.cmpi eq, %jit3A, %eq3A : i32
      %jit3A_26 = arith.constant 1 : i32
      %select_n3A = arith.select %eq3A_25, %jit3A_26, %jit3A : i32
      %rem3A = arith.remsi %scan3A_23, %select_n3A : i32
      %ne3A = arith.constant 0 : i32
      %ne3A_27 = arith.cmpi ne, %rem3A, %ne3A : i32
      %lt3A = arith.constant 0 : i32
      %lt3A_28 = arith.cmpi slt, %rem3A, %lt3A : i32
      %lt3A_29 = arith.constant 0 : i32
      %lt3A_30 = arith.cmpi slt, %select_n3A, %lt3A_29 : i32
      %ne3A_31 = arith.xori %lt3A_28, %lt3A_30 : i1
      %and3A = arith.andi %ne3A_31, %ne3A_27 : i1
      %add3A_32 = arith.addi %rem3A, %select_n3A : i32
      %select_n3A_33 = arith.select %and3A, %add3A_32, %rem3A : i32
      %eq3A_34 = arith.constant 0 : i32
      %eq3A_35 = arith.cmpi eq, %select_n3A_33, %eq3A_34 : i32
      %add3A_36 = arith.constant 1 : i32
      %add3A_37 = arith.addi %scan3A_23, %add3A_36 : i32
      %lt3A_38 = arith.constant 50 : i32
      %lt3A_39 = arith.cmpi slt, %add3A_37, %lt3A_38 : i32
      %and3A_40 = arith.andi %eq3A_35, %lt3A_39 : i1
      %convert_element_type3A = arith.extui %and3A_40 : i1 to i32
      %cond3A = arith.constant 0 : i32
      %cond3A_41 = arith.cmpi ne, %convert_element_type3A, %cond3A : i32
      scf.if %cond3A_41 {
        %add3A_64 = arith.constant 1 : i32
        %add3A_65 = arith.addi %scan3A_23, %add3A_64 : i32
        %dma_start3A_66 = arith.constant 0 : i32
        %dma_start3A_67 = tpu.memref_slice %arg8[%add3A_65, %dma_start3A_66] : memref<50x128xi32, #tpu.memory_space<vmem>> -> memref<1x128xi32, #tpu.memory_space<vmem>>
        %dma_start3A_68 = tpu.memref_squeeze %dma_start3A_67 : memref<1x128xi32, #tpu.memory_space<vmem>> -> memref<128xi32, #tpu.memory_space<vmem>>
        %dma_start3A_69 = arith.constant 0 : i32
        %dma_start3A_70 = arith.constant 0 : i32
        %dma_start3A_71 = tpu.memref_slice %arg2[%dma_start3A_69, %dma_start3A_70] : memref<1000000x32xf32, #tpu.memory_space<hbm>> -> memref<1000000x32xf32, #tpu.memory_space<hbm>>
        tpu.enqueue_indirect_dma source(%dma_start3A_71 : memref<1000000x32xf32, #tpu.memory_space<hbm>>) target(%arg11 : memref<128x32xf32, #tpu.memory_space<vmem>>) offsets(%dma_start3A_68 : memref<128xi32, #tpu.memory_space<vmem>>) semaphore(%arg14 : memref<!tpu.dma_semaphore, #tpu.memory_space<semaphore_mem>>)
      } else {
      }
      %not3A = arith.constant true
      %not3A_42 = arith.xori %eq3A_35, %not3A : i1
      %add3A_43 = arith.constant 1 : i32
      %add3A_44 = arith.addi %scan3A_23, %add3A_43 : i32
      %lt3A_45 = arith.constant 50 : i32
      %lt3A_46 = arith.cmpi slt, %add3A_44, %lt3A_45 : i32
      %and3A_47 = arith.andi %not3A_42, %lt3A_46 : i1
      %convert_element_type3A_48 = arith.extui %and3A_47 : i1 to i32
      %cond3A_49 = arith.constant 0 : i32
      %cond3A_50 = arith.cmpi ne, %convert_element_type3A_48, %cond3A_49 : i32
      scf.if %cond3A_50 {
        %add3A_64 = arith.constant 1 : i32
        %add3A_65 = arith.addi %scan3A_23, %add3A_64 : i32
        %dma_start3A_66 = arith.constant 0 : i32
        %dma_start3A_67 = tpu.memref_slice %arg8[%add3A_65, %dma_start3A_66] : memref<50x128xi32, #tpu.memory_space<vmem>> -> memref<1x128xi32, #tpu.memory_space<vmem>>
        %dma_start3A_68 = tpu.memref_squeeze %dma_start3A_67 : memref<1x128xi32, #tpu.memory_space<vmem>> -> memref<128xi32, #tpu.memory_space<vmem>>
        %dma_start3A_69 = arith.constant 0 : i32
        %dma_start3A_70 = arith.constant 0 : i32
        %dma_start3A_71 = tpu.memref_slice %arg2[%dma_start3A_69, %dma_start3A_70] : memref<1000000x32xf32, #tpu.memory_space<hbm>> -> memref<1000000x32xf32, #tpu.memory_space<hbm>>
        tpu.enqueue_indirect_dma source(%dma_start3A_71 : memref<1000000x32xf32, #tpu.memory_space<hbm>>) target(%arg10 : memref<128x32xf32, #tpu.memory_space<vmem>>) offsets(%dma_start3A_68 : memref<128xi32, #tpu.memory_space<vmem>>) semaphore(%arg13 : memref<!tpu.dma_semaphore, #tpu.memory_space<semaphore_mem>>)
      } else {
      }
      %mul3A_51 = arith.constant 128 : i32
      %mul3A_52 = arith.muli %scan3A_23, %mul3A_51 : i32
      %add3A_53 = arith.addi %multiple_of3A, %mul3A_52 : i32
      %multiple_of3A_54 = tpu.assume_multiple %add3A_53, 128 : i32
      %convert_element_type3A_55 = arith.extui %eq3A_35 : i1 to i32
      %cond3A_56 = arith.constant 0 : i32
      %cond3A_57 = arith.cmpi ne, %convert_element_type3A_55, %cond3A_56 : i32
      scf.if %cond3A_57 {
        %dma_wait3A_64 = arith.constant 0 : i32
        %dma_wait3A_65 = arith.constant 0 : i32
        %dma_wait3A_66 = tpu.memref_slice %arg8[%dma_wait3A_64, %dma_wait3A_65] : memref<50x128xi32, #tpu.memory_space<vmem>> -> memref<1x128xi32, #tpu.memory_space<vmem>>
        %dma_wait3A_67 = tpu.memref_squeeze %dma_wait3A_66 : memref<1x128xi32, #tpu.memory_space<vmem>> -> memref<128xi32, #tpu.memory_space<vmem>>
        %dma_wait3A_68 = arith.constant 0 : i32
        %dma_wait3A_69 = arith.constant 0 : i32
        %dma_wait3A_70 = tpu.memref_slice %arg2[%dma_wait3A_68, %dma_wait3A_69] : memref<1000000x32xf32, #tpu.memory_space<hbm>> -> memref<1000000x32xf32, #tpu.memory_space<hbm>>
        tpu.wait_indirect_dma semaphore(%arg13 : memref<!tpu.dma_semaphore, #tpu.memory_space<semaphore_mem>>) src(%dma_wait3A_70 : memref<1000000x32xf32, #tpu.memory_space<hbm>>) dst(%arg10 : memref<128x32xf32, #tpu.memory_space<vmem>>)
        "tpu.region"() ({
          %run_scoped3A = tpu.sem_alloc : memref<!tpu.dma_semaphore, #tpu.memory_space<semaphore_mem>>
          %dma_start3A_71 = arith.constant 0 : i32
          %dma_start3A_72 = tpu.memref_slice %arg6[%multiple_of3A_54, %dma_start3A_71] : memref<204800x32xf32, #tpu.memory_space<hbm>> -> memref<128x32xf32, #tpu.memory_space<hbm>>
          %dma_start3A_73 = arith.constant 0 : i32
          %dma_start3A_74 = tpu.memref_slice %arg6[%multiple_of3A_54, %dma_start3A_73] : memref<204800x32xf32, #tpu.memory_space<hbm>> -> memref<128x32xf32, #tpu.memory_space<hbm>>
          tpu.enqueue_dma source(%arg10 : memref<128x32xf32, #tpu.memory_space<vmem>>) target(%dma_start3A_74 : memref<128x32xf32, #tpu.memory_space<hbm>>) target_semaphore(%run_scoped3A : memref<!tpu.dma_semaphore, #tpu.memory_space<semaphore_mem>>)
          %dma_wait3A_75 = arith.constant 0 : i32
          %dma_wait3A_76 = tpu.memref_slice %arg6[%multiple_of3A_54, %dma_wait3A_75] : memref<204800x32xf32, #tpu.memory_space<hbm>> -> memref<128x32xf32, #tpu.memory_space<hbm>>
          %dma_wait3A_77 = arith.constant 0 : i32
          %dma_wait3A_78 = tpu.memref_slice %arg6[%multiple_of3A_54, %dma_wait3A_77] : memref<204800x32xf32, #tpu.memory_space<hbm>> -> memref<128x32xf32, #tpu.memory_space<hbm>>
          tpu.wait_dma2 semaphore(%run_scoped3A : memref<!tpu.dma_semaphore, #tpu.memory_space<semaphore_mem>>) src(%arg10 : memref<128x32xf32, #tpu.memory_space<vmem>>) dst(%dma_wait3A_78 : memref<128x32xf32, #tpu.memory_space<hbm>>)
          tpu.yield
        }) : () -> ()
      } else {
      }
      %not3A_58 = arith.constant true
      %not3A_59 = arith.xori %eq3A_35, %not3A_58 : i1
      %convert_element_type3A_60 = arith.extui %not3A_59 : i1 to i32
      %cond3A_61 = arith.constant 0 : i32
      %cond3A_62 = arith.cmpi ne, %convert_element_type3A_60, %cond3A_61 : i32
      scf.if %cond3A_62 {
        %dma_wait3A_64 = arith.constant 0 : i32
        %dma_wait3A_65 = arith.constant 0 : i32
        %dma_wait3A_66 = tpu.memref_slice %arg8[%dma_wait3A_64, %dma_wait3A_65] : memref<50x128xi32, #tpu.memory_space<vmem>> -> memref<1x128xi32, #tpu.memory_space<vmem>>
        %dma_wait3A_67 = tpu.memref_squeeze %dma_wait3A_66 : memref<1x128xi32, #tpu.memory_space<vmem>> -> memref<128xi32, #tpu.memory_space<vmem>>
        %dma_wait3A_68 = arith.constant 0 : i32
        %dma_wait3A_69 = arith.constant 0 : i32
        %dma_wait3A_70 = tpu.memref_slice %arg2[%dma_wait3A_68, %dma_wait3A_69] : memref<1000000x32xf32, #tpu.memory_space<hbm>> -> memref<1000000x32xf32, #tpu.memory_space<hbm>>
        tpu.wait_indirect_dma semaphore(%arg14 : memref<!tpu.dma_semaphore, #tpu.memory_space<semaphore_mem>>) src(%dma_wait3A_70 : memref<1000000x32xf32, #tpu.memory_space<hbm>>) dst(%arg11 : memref<128x32xf32, #tpu.memory_space<vmem>>)
        "tpu.region"() ({
          %run_scoped3A = tpu.sem_alloc : memref<!tpu.dma_semaphore, #tpu.memory_space<semaphore_mem>>
          %dma_start3A_71 = arith.constant 0 : i32
          %dma_start3A_72 = tpu.memref_slice %arg6[%multiple_of3A_54, %dma_start3A_71] : memref<204800x32xf32, #tpu.memory_space<hbm>> -> memref<128x32xf32, #tpu.memory_space<hbm>>
          %dma_start3A_73 = arith.constant 0 : i32
          %dma_start3A_74 = tpu.memref_slice %arg6[%multiple_of3A_54, %dma_start3A_73] : memref<204800x32xf32, #tpu.memory_space<hbm>> -> memref<128x32xf32, #tpu.memory_space<hbm>>
          tpu.enqueue_dma source(%arg11 : memref<128x32xf32, #tpu.memory_space<vmem>>) target(%dma_start3A_74 : memref<128x32xf32, #tpu.memory_space<hbm>>) target_semaphore(%run_scoped3A : memref<!tpu.dma_semaphore, #tpu.memory_space<semaphore_mem>>)
          %dma_wait3A_75 = arith.constant 0 : i32
          %dma_wait3A_76 = tpu.memref_slice %arg6[%multiple_of3A_54, %dma_wait3A_75] : memref<204800x32xf32, #tpu.memory_space<hbm>> -> memref<128x32xf32, #tpu.memory_space<hbm>>
          %dma_wait3A_77 = arith.constant 0 : i32
          %dma_wait3A_78 = tpu.memref_slice %arg6[%multiple_of3A_54, %dma_wait3A_77] : memref<204800x32xf32, #tpu.memory_space<hbm>> -> memref<128x32xf32, #tpu.memory_space<hbm>>
          tpu.wait_dma2 semaphore(%run_scoped3A : memref<!tpu.dma_semaphore, #tpu.memory_space<semaphore_mem>>) src(%arg11 : memref<128x32xf32, #tpu.memory_space<vmem>>) dst(%dma_wait3A_78 : memref<128x32xf32, #tpu.memory_space<hbm>>)
          tpu.yield
        }) : () -> ()
      } else {
      }
      %scan3A_63 = arith.constant 0 : i32
      scf.yield %scan3A_63 : i32
    }
    %scan3A_17 = arith.constant 50 : i32
    %dma_wait3A = arith.constant 0 : i32
    %dma_wait3A_18 = arith.constant 0 : i32
    %dma_wait3A_19 = tpu.memref_slice %arg4[%dma_wait3A, %dma_wait3A_18] : memref<1000000x32xf32, #tpu.memory_space<hbm>> -> memref<1000000x32xf32, #tpu.memory_space<hbm>>
    tpu.wait_indirect_dma semaphore(%arg15 : memref<!tpu.dma_semaphore, #tpu.memory_space<semaphore_mem>>) src(%dma_wait3A_19 : memref<1000000x32xf32, #tpu.memory_space<hbm>>) dst(%arg12 : memref<128x32xf32, #tpu.memory_space<vmem>>)
    %mul3A_20 = arith.constant 128 : i32
    %mul3A_21 = arith.muli %add3A, %mul3A_20 : i32
    %multiple_of3A_22 = tpu.assume_multiple %mul3A_21, 128 : i32
    "tpu.region"() ({
      %run_scoped3A = tpu.sem_alloc : memref<!tpu.dma_semaphore, #tpu.memory_space<semaphore_mem>>
      %dma_start3A_23 = arith.constant 0 : i32
      %dma_start3A_24 = tpu.memref_slice %arg7[%multiple_of3A_22, %dma_start3A_23] : memref<4096x32xf32, #tpu.memory_space<hbm>> -> memref<128x32xf32, #tpu.memory_space<hbm>>
      %dma_start3A_25 = arith.constant 0 : i32
      %dma_start3A_26 = tpu.memref_slice %arg7[%multiple_of3A_22, %dma_start3A_25] : memref<4096x32xf32, #tpu.memory_space<hbm>> -> memref<128x32xf32, #tpu.memory_space<hbm>>
      tpu.enqueue_dma source(%arg12 : memref<128x32xf32, #tpu.memory_space<vmem>>) target(%dma_start3A_26 : memref<128x32xf32, #tpu.memory_space<hbm>>) target_semaphore(%run_scoped3A : memref<!tpu.dma_semaphore, #tpu.memory_space<semaphore_mem>>)
      %dma_wait3A_27 = arith.constant 0 : i32
      %dma_wait3A_28 = tpu.memref_slice %arg7[%multiple_of3A_22, %dma_wait3A_27] : memref<4096x32xf32, #tpu.memory_space<hbm>> -> memref<128x32xf32, #tpu.memory_space<hbm>>
      %dma_wait3A_29 = arith.constant 0 : i32
      %dma_wait3A_30 = tpu.memref_slice %arg7[%multiple_of3A_22, %dma_wait3A_29] : memref<4096x32xf32, #tpu.memory_space<hbm>> -> memref<128x32xf32, #tpu.memory_space<hbm>>
      tpu.wait_dma2 semaphore(%run_scoped3A : memref<!tpu.dma_semaphore, #tpu.memory_space<semaphore_mem>>) src(%arg12 : memref<128x32xf32, #tpu.memory_space<vmem>>) dst(%dma_wait3A_30 : memref<128x32xf32, #tpu.memory_space<hbm>>)
      tpu.yield
    }) : () -> ()
    return
  }
}

module attributes {stable_mosaic.version = 14 : i64} {
  func.func @_tc_body(%arg0: i32, %arg1: memref<6400x32xf32, #tpu.memory_space<vmem>>, %arg2: memref<6400x1xi32, #tpu.memory_space<vmem>>, %arg3: memref<128x32xf32, #tpu.memory_space<vmem>>, %arg4: memref<5x32xf32, #tpu.memory_space<vmem>>, %arg5: memref<64x32xf32, #tpu.memory_space<vmem>>, %arg6: memref<1x32xf32, #tpu.memory_space<vmem>>, %arg7: memref<32x32xf32, #tpu.memory_space<vmem>>, %arg8: memref<1x32xf32, #tpu.memory_space<vmem>>, %arg9: memref<64x32xf32, #tpu.memory_space<vmem>>, %arg10: memref<1x32xf32, #tpu.memory_space<vmem>>, %arg11: memref<32x32xf32, #tpu.memory_space<vmem>>, %arg12: memref<1x32xf32, #tpu.memory_space<vmem>>, %arg13: memref<1x32xf32, #tpu.memory_space<vmem>>, %arg14: memref<128x32xf32, #tpu.memory_space<vmem>>) attributes {dimension_semantics = [#tpu.dimension_semantics<arbitrary>], iteration_bounds = array<i64: 32>, scalar_prefetch = 0 : i64, scratch_operands = 0 : i64, tpu.core_type = #tpu.core_type<tc>, window_params = [{transform_indices = @transform_0, window_bounds = array<i64: 6400, 32>}, {transform_indices = @transform_1, window_bounds = array<i64: 6400, 1>}, {transform_indices = @transform_2, window_bounds = array<i64: 128, 32>}, {pipeline_mode = #tpu.pipeline_mode<synchronous>, transform_indices = @transform_3, window_bounds = array<i64: 5, 32>}, {pipeline_mode = #tpu.pipeline_mode<synchronous>, transform_indices = @transform_4, window_bounds = array<i64: 64, 32>}, {pipeline_mode = #tpu.pipeline_mode<synchronous>, transform_indices = @transform_5, window_bounds = array<i64: 1, 32>}, {pipeline_mode = #tpu.pipeline_mode<synchronous>, transform_indices = @transform_6, window_bounds = array<i64: 32, 32>}, {pipeline_mode = #tpu.pipeline_mode<synchronous>, transform_indices = @transform_7, window_bounds = array<i64: 1, 32>}, {pipeline_mode = #tpu.pipeline_mode<synchronous>, transform_indices = @transform_8, window_bounds = array<i64: 64, 32>}, {pipeline_mode = #tpu.pipeline_mode<synchronous>, transform_indices = @transform_9, window_bounds = array<i64: 1, 32>}, {pipeline_mode = #tpu.pipeline_mode<synchronous>, transform_indices = @transform_10, window_bounds = array<i64: 32, 32>}, {pipeline_mode = #tpu.pipeline_mode<synchronous>, transform_indices = @transform_11, window_bounds = array<i64: 1, 32>}, {pipeline_mode = #tpu.pipeline_mode<synchronous>, transform_indices = @transform_12, window_bounds = array<i64: 1, 32>}, {transform_indices = @transform_13, window_bounds = array<i64: 128, 32>}]} {
    %get3A = arith.constant 0 : index
    %get3A_0 = arith.constant 0 : index
    %get3A_1 = vector.load %arg1[%get3A, %get3A_0] : memref<6400x32xf32, #tpu.memory_space<vmem>>, vector<6400x32xf32>
    %get3A_2 = arith.constant 0 : index
    %get3A_3 = arith.constant 0 : index
    %get3A_4 = vector.load %arg2[%get3A_2, %get3A_3] : memref<6400x1xi32, #tpu.memory_space<vmem>>, vector<6400x1xi32>
    %get3A_5 = arith.constant 0 : index
    %get3A_6 = arith.constant 0 : index
    %get3A_7 = vector.load %arg5[%get3A_5, %get3A_6] : memref<64x32xf32, #tpu.memory_space<vmem>>, vector<32x32xf32>
    %get3A_8 = arith.constant 32 : index
    %get3A_9 = arith.constant 0 : index
    %get3A_10 = vector.load %arg5[%get3A_8, %get3A_9] : memref<64x32xf32, #tpu.memory_space<vmem>>, vector<32x32xf32>
    %get3A_11 = arith.constant 0 : index
    %get3A_12 = arith.constant 0 : index
    %get3A_13 = vector.load %arg4[%get3A_11, %get3A_12] : memref<5x32xf32, #tpu.memory_space<vmem>>, vector<5x32xf32>
    %dot_general3A = arith.constant dense<0.000000e+00> : vector<5x32xf32>
    %dot_general3A_14 = tpu.matmul %get3A_13, %get3A_10, %dot_general3A {dimension_numbers = #tpu.dot_dimension_numbers<[1], [0], [0], [1], [0, 0, 1, 1], [], []>, transpose_lhs_hint = false} : vector<5x32xf32>, vector<32x32xf32>, vector<5x32xf32> -> vector<5x32xf32>
    %get3A_15 = arith.constant 0 : index
    %get3A_16 = arith.constant 0 : index
    %get3A_17 = vector.load %arg6[%get3A_15, %get3A_16] : memref<1x32xf32, #tpu.memory_space<vmem>>, vector<1x32xf32>
    %add3A = vector.broadcast %get3A_17 : vector<1x32xf32> to vector<5x32xf32>
    %add3A_18 = arith.addf %dot_general3A_14, %add3A : vector<5x32xf32>
    %broadcast_in_dim3A = arith.constant 0.000000e+00 : f32
    %broadcast_in_dim3A_19 = vector.broadcast %broadcast_in_dim3A : f32 to vector<6400x32xf32>
    %eq3A = arith.constant 0 : i32
    %eq3A_20 = vector.broadcast %eq3A : i32 to vector<6400x1xi32>
    %eq3A_21 = arith.cmpi eq, %get3A_4, %eq3A_20 : vector<6400x1xi32>
    %slice3A = vector.extract_strided_slice %add3A_18 {offsets = [0, 0], sizes = [1, 32], strides = [1, 1]} : vector<5x32xf32> to vector<1x32xf32>
    %jit3A = arith.constant 0.000000e+00 : f32
    %broadcast_in_dim3A_22 = vector.shape_cast %eq3A_21 : vector<6400x1xi1> to vector<6400x1xi1>
    %broadcast_in_dim3A_23 = vector.broadcast %broadcast_in_dim3A_22 : vector<6400x1xi1> to vector<6400x32xi1>
    %broadcast_in_dim3A_24 = vector.shape_cast %slice3A : vector<1x32xf32> to vector<1x32xf32>
    %broadcast_in_dim3A_25 = vector.broadcast %broadcast_in_dim3A_24 : vector<1x32xf32> to vector<6400x32xf32>
    %broadcast_in_dim3A_26 = vector.broadcast %jit3A : f32 to vector<6400x32xf32>
    %select_n3A = arith.select %broadcast_in_dim3A_23, %broadcast_in_dim3A_25, %broadcast_in_dim3A_26 : vector<6400x32xi1>, vector<6400x32xf32>
    %add3A_27 = arith.addf %broadcast_in_dim3A_19, %select_n3A : vector<6400x32xf32>
    %eq3A_28 = arith.constant 1 : i32
    %eq3A_29 = vector.broadcast %eq3A_28 : i32 to vector<6400x1xi32>
    %eq3A_30 = arith.cmpi eq, %get3A_4, %eq3A_29 : vector<6400x1xi32>
    %slice3A_31 = vector.extract_strided_slice %add3A_18 {offsets = [1, 0], sizes = [1, 32], strides = [1, 1]} : vector<5x32xf32> to vector<1x32xf32>
    %jit3A_32 = arith.constant 0.000000e+00 : f32
    %broadcast_in_dim3A_33 = vector.shape_cast %eq3A_30 : vector<6400x1xi1> to vector<6400x1xi1>
    %broadcast_in_dim3A_34 = vector.broadcast %broadcast_in_dim3A_33 : vector<6400x1xi1> to vector<6400x32xi1>
    %broadcast_in_dim3A_35 = vector.shape_cast %slice3A_31 : vector<1x32xf32> to vector<1x32xf32>
    %broadcast_in_dim3A_36 = vector.broadcast %broadcast_in_dim3A_35 : vector<1x32xf32> to vector<6400x32xf32>
    %broadcast_in_dim3A_37 = vector.broadcast %jit3A_32 : f32 to vector<6400x32xf32>
    %select_n3A_38 = arith.select %broadcast_in_dim3A_34, %broadcast_in_dim3A_36, %broadcast_in_dim3A_37 : vector<6400x32xi1>, vector<6400x32xf32>
    %add3A_39 = arith.addf %add3A_27, %select_n3A_38 : vector<6400x32xf32>
    %eq3A_40 = arith.constant 2 : i32
    %eq3A_41 = vector.broadcast %eq3A_40 : i32 to vector<6400x1xi32>
    %eq3A_42 = arith.cmpi eq, %get3A_4, %eq3A_41 : vector<6400x1xi32>
    %slice3A_43 = vector.extract_strided_slice %add3A_18 {offsets = [2, 0], sizes = [1, 32], strides = [1, 1]} : vector<5x32xf32> to vector<1x32xf32>
    %jit3A_44 = arith.constant 0.000000e+00 : f32
    %broadcast_in_dim3A_45 = vector.shape_cast %eq3A_42 : vector<6400x1xi1> to vector<6400x1xi1>
    %broadcast_in_dim3A_46 = vector.broadcast %broadcast_in_dim3A_45 : vector<6400x1xi1> to vector<6400x32xi1>
    %broadcast_in_dim3A_47 = vector.shape_cast %slice3A_43 : vector<1x32xf32> to vector<1x32xf32>
    %broadcast_in_dim3A_48 = vector.broadcast %broadcast_in_dim3A_47 : vector<1x32xf32> to vector<6400x32xf32>
    %broadcast_in_dim3A_49 = vector.broadcast %jit3A_44 : f32 to vector<6400x32xf32>
    %select_n3A_50 = arith.select %broadcast_in_dim3A_46, %broadcast_in_dim3A_48, %broadcast_in_dim3A_49 : vector<6400x32xi1>, vector<6400x32xf32>
    %add3A_51 = arith.addf %add3A_39, %select_n3A_50 : vector<6400x32xf32>
    %eq3A_52 = arith.constant 3 : i32
    %eq3A_53 = vector.broadcast %eq3A_52 : i32 to vector<6400x1xi32>
    %eq3A_54 = arith.cmpi eq, %get3A_4, %eq3A_53 : vector<6400x1xi32>
    %slice3A_55 = vector.extract_strided_slice %add3A_18 {offsets = [3, 0], sizes = [1, 32], strides = [1, 1]} : vector<5x32xf32> to vector<1x32xf32>
    %jit3A_56 = arith.constant 0.000000e+00 : f32
    %broadcast_in_dim3A_57 = vector.shape_cast %eq3A_54 : vector<6400x1xi1> to vector<6400x1xi1>
    %broadcast_in_dim3A_58 = vector.broadcast %broadcast_in_dim3A_57 : vector<6400x1xi1> to vector<6400x32xi1>
    %broadcast_in_dim3A_59 = vector.shape_cast %slice3A_55 : vector<1x32xf32> to vector<1x32xf32>
    %broadcast_in_dim3A_60 = vector.broadcast %broadcast_in_dim3A_59 : vector<1x32xf32> to vector<6400x32xf32>
    %broadcast_in_dim3A_61 = vector.broadcast %jit3A_56 : f32 to vector<6400x32xf32>
    %select_n3A_62 = arith.select %broadcast_in_dim3A_58, %broadcast_in_dim3A_60, %broadcast_in_dim3A_61 : vector<6400x32xi1>, vector<6400x32xf32>
    %add3A_63 = arith.addf %add3A_51, %select_n3A_62 : vector<6400x32xf32>
    %eq3A_64 = arith.constant 4 : i32
    %eq3A_65 = vector.broadcast %eq3A_64 : i32 to vector<6400x1xi32>
    %eq3A_66 = arith.cmpi eq, %get3A_4, %eq3A_65 : vector<6400x1xi32>
    %slice3A_67 = vector.extract_strided_slice %add3A_18 {offsets = [4, 0], sizes = [1, 32], strides = [1, 1]} : vector<5x32xf32> to vector<1x32xf32>
    %jit3A_68 = arith.constant 0.000000e+00 : f32
    %broadcast_in_dim3A_69 = vector.shape_cast %eq3A_66 : vector<6400x1xi1> to vector<6400x1xi1>
    %broadcast_in_dim3A_70 = vector.broadcast %broadcast_in_dim3A_69 : vector<6400x1xi1> to vector<6400x32xi1>
    %broadcast_in_dim3A_71 = vector.shape_cast %slice3A_67 : vector<1x32xf32> to vector<1x32xf32>
    %broadcast_in_dim3A_72 = vector.broadcast %broadcast_in_dim3A_71 : vector<1x32xf32> to vector<6400x32xf32>
    %broadcast_in_dim3A_73 = vector.broadcast %jit3A_68 : f32 to vector<6400x32xf32>
    %select_n3A_74 = arith.select %broadcast_in_dim3A_70, %broadcast_in_dim3A_72, %broadcast_in_dim3A_73 : vector<6400x32xi1>, vector<6400x32xf32>
    %add3A_75 = arith.addf %add3A_63, %select_n3A_74 : vector<6400x32xf32>
    %dot_general3A_76 = arith.constant dense<0.000000e+00> : vector<6400x32xf32>
    %dot_general3A_77 = tpu.matmul %get3A_1, %get3A_7, %dot_general3A_76 {dimension_numbers = #tpu.dot_dimension_numbers<[1], [0], [0], [1], [0, 0, 1, 1], [], []>, transpose_lhs_hint = false} : vector<6400x32xf32>, vector<32x32xf32>, vector<6400x32xf32> -> vector<6400x32xf32>
    %add3A_78 = arith.addf %dot_general3A_77, %add3A_75 : vector<6400x32xf32>
    %max3A = arith.constant 0.000000e+00 : f32
    %max3A_79 = vector.broadcast %max3A : f32 to vector<6400x32xf32>
    %max3A_80 = arith.maximumf %add3A_78, %max3A_79 : vector<6400x32xf32>
    %get3A_81 = arith.constant 0 : index
    %get3A_82 = arith.constant 0 : index
    %get3A_83 = vector.load %arg7[%get3A_81, %get3A_82] : memref<32x32xf32, #tpu.memory_space<vmem>>, vector<32x32xf32>
    %dot_general3A_84 = arith.constant dense<0.000000e+00> : vector<6400x32xf32>
    %dot_general3A_85 = tpu.matmul %max3A_80, %get3A_83, %dot_general3A_84 {dimension_numbers = #tpu.dot_dimension_numbers<[1], [0], [0], [1], [0, 0, 1, 1], [], []>, transpose_lhs_hint = false} : vector<6400x32xf32>, vector<32x32xf32>, vector<6400x32xf32> -> vector<6400x32xf32>
    %get3A_86 = arith.constant 0 : index
    %get3A_87 = arith.constant 0 : index
    %get3A_88 = vector.load %arg8[%get3A_86, %get3A_87] : memref<1x32xf32, #tpu.memory_space<vmem>>, vector<1x32xf32>
    %add3A_89 = vector.broadcast %get3A_88 : vector<1x32xf32> to vector<6400x32xf32>
    %add3A_90 = arith.addf %dot_general3A_85, %add3A_89 : vector<6400x32xf32>
    %max3A_91 = arith.constant 0.000000e+00 : f32
    %max3A_92 = vector.broadcast %max3A_91 : f32 to vector<6400x32xf32>
    %max3A_93 = arith.maximumf %add3A_90, %max3A_92 : vector<6400x32xf32>
    %get3A_94 = arith.constant 0 : index
    %get3A_95 = arith.constant 0 : index
    %get3A_96 = vector.load %arg3[%get3A_94, %get3A_95] : memref<128x32xf32, #tpu.memory_space<vmem>>, vector<128x32xf32>
    %get3A_97 = arith.constant 0 : index
    %get3A_98 = arith.constant 0 : index
    %get3A_99 = vector.load %arg9[%get3A_97, %get3A_98] : memref<64x32xf32, #tpu.memory_space<vmem>>, vector<32x32xf32>
    %get3A_100 = arith.constant 32 : index
    %get3A_101 = arith.constant 0 : index
    %get3A_102 = vector.load %arg9[%get3A_100, %get3A_101] : memref<64x32xf32, #tpu.memory_space<vmem>>, vector<32x32xf32>
    %dot_general3A_103 = arith.constant dense<0.000000e+00> : vector<128x32xf32>
    %dot_general3A_104 = tpu.matmul %get3A_96, %get3A_102, %dot_general3A_103 {dimension_numbers = #tpu.dot_dimension_numbers<[1], [0], [0], [1], [0, 0, 1, 1], [], []>, transpose_lhs_hint = false} : vector<128x32xf32>, vector<32x32xf32>, vector<128x32xf32> -> vector<128x32xf32>
    %iota3A = tpu.iota {dimensions = array<i32: 0>} : vector<6400x128xi32>
    %jit3A_105 = arith.constant 50 : i32
    %div3A = vector.broadcast %jit3A_105 : i32 to vector<6400x128xi32>
    %div3A_106 = arith.divsi %iota3A, %div3A : vector<6400x128xi32>
    %sign3A = arith.constant 0 : i32
    %sign3A_107 = vector.broadcast %sign3A : i32 to vector<6400x128xi32>
    %sign3A_108 = arith.cmpi sgt, %iota3A, %sign3A_107 : vector<6400x128xi32>
    %sign3A_109 = arith.extui %sign3A_108 : vector<6400x128xi1> to vector<6400x128xi32>
    %sign3A_110 = arith.constant 0 : i32
    %sign3A_111 = vector.broadcast %sign3A_110 : i32 to vector<6400x128xi32>
    %sign3A_112 = arith.cmpi slt, %iota3A, %sign3A_111 : vector<6400x128xi32>
    %sign3A_113 = arith.extui %sign3A_112 : vector<6400x128xi1> to vector<6400x128xi32>
    %sign3A_114 = arith.subi %sign3A_109, %sign3A_113 : vector<6400x128xi32>
    %sign3A_115 = arith.constant 0 : i32
    %sign3A_116 = arith.cmpi sgt, %jit3A_105, %sign3A_115 : i32
    %sign3A_117 = arith.extui %sign3A_116 : i1 to i32
    %sign3A_118 = arith.constant 0 : i32
    %sign3A_119 = arith.cmpi slt, %jit3A_105, %sign3A_118 : i32
    %sign3A_120 = arith.extui %sign3A_119 : i1 to i32
    %sign3A_121 = arith.subi %sign3A_117, %sign3A_120 : i32
    %ne3A = vector.broadcast %sign3A_121 : i32 to vector<6400x128xi32>
    %ne3A_122 = arith.cmpi ne, %sign3A_114, %ne3A : vector<6400x128xi32>
    %rem3A = vector.broadcast %jit3A_105 : i32 to vector<6400x128xi32>
    %rem3A_123 = arith.remsi %iota3A, %rem3A : vector<6400x128xi32>
    %ne3A_124 = arith.constant 0 : i32
    %ne3A_125 = vector.broadcast %ne3A_124 : i32 to vector<6400x128xi32>
    %ne3A_126 = arith.cmpi ne, %rem3A_123, %ne3A_125 : vector<6400x128xi32>
    %and3A = arith.andi %ne3A_122, %ne3A_126 : vector<6400x128xi1>
    %sub3A = arith.constant 1 : i32
    %sub3A_127 = vector.broadcast %sub3A : i32 to vector<6400x128xi32>
    %sub3A_128 = arith.subi %div3A_106, %sub3A_127 : vector<6400x128xi32>
    %select_n3A_129 = arith.select %and3A, %sub3A_128, %div3A_106 : vector<6400x128xi1>, vector<6400x128xi32>
    %iota3A_130 = tpu.iota {dimensions = array<i32: 1>} : vector<6400x128xi32>
    %eq3A_131 = arith.cmpi eq, %select_n3A_129, %iota3A_130 : vector<6400x128xi32>
    %convert_element_type3A = arith.extui %eq3A_131 : vector<6400x128xi1> to vector<6400x128xi32>
    %convert_element_type3A_132 = arith.sitofp %convert_element_type3A : vector<6400x128xi32> to vector<6400x128xf32>
    %iota3A_133 = tpu.iota {dimensions = array<i32: 1>} : vector<128x6400xi32>
    %jit3A_134 = arith.constant 50 : i32
    %div3A_135 = vector.broadcast %jit3A_134 : i32 to vector<128x6400xi32>
    %div3A_136 = arith.divsi %iota3A_133, %div3A_135 : vector<128x6400xi32>
    %sign3A_137 = arith.constant 0 : i32
    %sign3A_138 = vector.broadcast %sign3A_137 : i32 to vector<128x6400xi32>
    %sign3A_139 = arith.cmpi sgt, %iota3A_133, %sign3A_138 : vector<128x6400xi32>
    %sign3A_140 = arith.extui %sign3A_139 : vector<128x6400xi1> to vector<128x6400xi32>
    %sign3A_141 = arith.constant 0 : i32
    %sign3A_142 = vector.broadcast %sign3A_141 : i32 to vector<128x6400xi32>
    %sign3A_143 = arith.cmpi slt, %iota3A_133, %sign3A_142 : vector<128x6400xi32>
    %sign3A_144 = arith.extui %sign3A_143 : vector<128x6400xi1> to vector<128x6400xi32>
    %sign3A_145 = arith.subi %sign3A_140, %sign3A_144 : vector<128x6400xi32>
    %sign3A_146 = arith.constant 0 : i32
    %sign3A_147 = arith.cmpi sgt, %jit3A_134, %sign3A_146 : i32
    %sign3A_148 = arith.extui %sign3A_147 : i1 to i32
    %sign3A_149 = arith.constant 0 : i32
    %sign3A_150 = arith.cmpi slt, %jit3A_134, %sign3A_149 : i32
    %sign3A_151 = arith.extui %sign3A_150 : i1 to i32
    %sign3A_152 = arith.subi %sign3A_148, %sign3A_151 : i32
    %ne3A_153 = vector.broadcast %sign3A_152 : i32 to vector<128x6400xi32>
    %ne3A_154 = arith.cmpi ne, %sign3A_145, %ne3A_153 : vector<128x6400xi32>
    %rem3A_155 = vector.broadcast %jit3A_134 : i32 to vector<128x6400xi32>
    %rem3A_156 = arith.remsi %iota3A_133, %rem3A_155 : vector<128x6400xi32>
    %ne3A_157 = arith.constant 0 : i32
    %ne3A_158 = vector.broadcast %ne3A_157 : i32 to vector<128x6400xi32>
    %ne3A_159 = arith.cmpi ne, %rem3A_156, %ne3A_158 : vector<128x6400xi32>
    %and3A_160 = arith.andi %ne3A_154, %ne3A_159 : vector<128x6400xi1>
    %sub3A_161 = arith.constant 1 : i32
    %sub3A_162 = vector.broadcast %sub3A_161 : i32 to vector<128x6400xi32>
    %sub3A_163 = arith.subi %div3A_136, %sub3A_162 : vector<128x6400xi32>
    %select_n3A_164 = arith.select %and3A_160, %sub3A_163, %div3A_136 : vector<128x6400xi1>, vector<128x6400xi32>
    %iota3A_165 = tpu.iota {dimensions = array<i32: 0>} : vector<128x6400xi32>
    %eq3A_166 = arith.cmpi eq, %select_n3A_164, %iota3A_165 : vector<128x6400xi32>
    %convert_element_type3A_167 = arith.extui %eq3A_166 : vector<128x6400xi1> to vector<128x6400xi32>
    %convert_element_type3A_168 = arith.sitofp %convert_element_type3A_167 : vector<128x6400xi32> to vector<128x6400xf32>
    %dot_general3A_169 = arith.constant dense<0.000000e+00> : vector<6400x32xf32>
    %dot_general3A_170 = tpu.matmul %max3A_93, %get3A_99, %dot_general3A_169 {dimension_numbers = #tpu.dot_dimension_numbers<[1], [0], [0], [1], [0, 0, 1, 1], [], []>, transpose_lhs_hint = false} : vector<6400x32xf32>, vector<32x32xf32>, vector<6400x32xf32> -> vector<6400x32xf32>
    %dot_general3A_171 = arith.constant dense<0.000000e+00> : vector<6400x32xf32>
    %dot_general3A_172 = tpu.matmul %convert_element_type3A_132, %dot_general3A_104, %dot_general3A_171 {dimension_numbers = #tpu.dot_dimension_numbers<[1], [0], [0], [1], [0, 0, 1, 1], [], []>, transpose_lhs_hint = false} : vector<6400x128xf32>, vector<128x32xf32>, vector<6400x32xf32> -> vector<6400x32xf32>
    %add3A_173 = arith.addf %dot_general3A_170, %dot_general3A_172 : vector<6400x32xf32>
    %get3A_174 = arith.constant 0 : index
    %get3A_175 = arith.constant 0 : index
    %get3A_176 = vector.load %arg10[%get3A_174, %get3A_175] : memref<1x32xf32, #tpu.memory_space<vmem>>, vector<1x32xf32>
    %add3A_177 = vector.broadcast %get3A_176 : vector<1x32xf32> to vector<6400x32xf32>
    %add3A_178 = arith.addf %add3A_173, %add3A_177 : vector<6400x32xf32>
    %max3A_179 = arith.constant 0.000000e+00 : f32
    %max3A_180 = vector.broadcast %max3A_179 : f32 to vector<6400x32xf32>
    %max3A_181 = arith.maximumf %add3A_178, %max3A_180 : vector<6400x32xf32>
    %get3A_182 = arith.constant 0 : index
    %get3A_183 = arith.constant 0 : index
    %get3A_184 = vector.load %arg11[%get3A_182, %get3A_183] : memref<32x32xf32, #tpu.memory_space<vmem>>, vector<32x32xf32>
    %dot_general3A_185 = arith.constant dense<0.000000e+00> : vector<6400x32xf32>
    %dot_general3A_186 = tpu.matmul %max3A_181, %get3A_184, %dot_general3A_185 {dimension_numbers = #tpu.dot_dimension_numbers<[1], [0], [0], [1], [0, 0, 1, 1], [], []>, transpose_lhs_hint = false} : vector<6400x32xf32>, vector<32x32xf32>, vector<6400x32xf32> -> vector<6400x32xf32>
    %get3A_187 = arith.constant 0 : index
    %get3A_188 = arith.constant 0 : index
    %get3A_189 = vector.load %arg12[%get3A_187, %get3A_188] : memref<1x32xf32, #tpu.memory_space<vmem>>, vector<1x32xf32>
    %add3A_190 = vector.broadcast %get3A_189 : vector<1x32xf32> to vector<6400x32xf32>
    %add3A_191 = arith.addf %dot_general3A_186, %add3A_190 : vector<6400x32xf32>
    %max3A_192 = arith.constant 0.000000e+00 : f32
    %max3A_193 = vector.broadcast %max3A_192 : f32 to vector<6400x32xf32>
    %max3A_194 = arith.maximumf %add3A_191, %max3A_193 : vector<6400x32xf32>
    %get3A_195 = arith.constant 0 : index
    %get3A_196 = arith.constant 0 : index
    %get3A_197 = vector.load %arg13[%get3A_195, %get3A_196] : memref<1x32xf32, #tpu.memory_space<vmem>>, vector<1x32xf32>
    %mul3A = vector.broadcast %get3A_197 : vector<1x32xf32> to vector<6400x32xf32>
    %mul3A_198 = arith.mulf %max3A_194, %mul3A : vector<6400x32xf32>
    %reduce_sum3A = arith.constant dense<0.000000e+00> : vector<6400xf32>
    %reduce_sum3A_199 = vector.multi_reduction <add>, %mul3A_198, %reduce_sum3A [1] : vector<6400x32xf32> to vector<6400xf32>
    %broadcast_in_dim3A_200 = vector.shape_cast %reduce_sum3A_199 : vector<6400xf32> to vector<6400x1xf32>
    %reduce_max3A = vector.shape_cast %broadcast_in_dim3A_200 : vector<6400x1xf32> to vector<1x6400x1xf32>
    %reduce_max3A_201 = arith.constant dense<0xFF800000> : vector<1xf32>
    %reduce_max3A_202 = vector.multi_reduction <maximumf>, %reduce_max3A, %reduce_max3A_201 [1, 2] : vector<1x6400x1xf32> to vector<1xf32>
    %reduce_max3A_203 = vector.shape_cast %reduce_max3A_202 : vector<1xf32> to vector<1x1x1xf32>
    %reduce_max3A_204 = vector.extract %reduce_max3A_203[0, 0, 0] : f32 from vector<1x1x1xf32>
    %sub3A_205 = vector.broadcast %reduce_max3A_204 : f32 to vector<6400x1xf32>
    %sub3A_206 = arith.subf %broadcast_in_dim3A_200, %sub3A_205 : vector<6400x1xf32>
    %exp3A = math.exp %sub3A_206 : vector<6400x1xf32>
    %broadcast_in_dim3A_207 = vector.shape_cast %exp3A : vector<6400x1xf32> to vector<6400x1xf32>
    %broadcast_in_dim3A_208 = vector.broadcast %broadcast_in_dim3A_207 : vector<6400x1xf32> to vector<6400x32xf32>
    %dot_general3A_209 = arith.constant dense<0.000000e+00> : vector<128x32xf32>
    %dot_general3A_210 = tpu.matmul %convert_element_type3A_168, %broadcast_in_dim3A_208, %dot_general3A_209 {dimension_numbers = #tpu.dot_dimension_numbers<[1], [0], [0], [1], [0, 0, 1, 1], [], []>, transpose_lhs_hint = false} : vector<128x6400xf32>, vector<6400x32xf32>, vector<128x32xf32> -> vector<128x32xf32>
    %dot_general3A_211 = arith.constant dense<0.000000e+00> : vector<6400x32xf32>
    %dot_general3A_212 = tpu.matmul %convert_element_type3A_132, %dot_general3A_210, %dot_general3A_211 {dimension_numbers = #tpu.dot_dimension_numbers<[1], [0], [0], [1], [0, 0, 1, 1], [], []>, transpose_lhs_hint = false} : vector<6400x128xf32>, vector<128x32xf32>, vector<6400x32xf32> -> vector<6400x32xf32>
    %div3A_213 = arith.divf %broadcast_in_dim3A_208, %dot_general3A_212 : vector<6400x32xf32>
    %mul3A_214 = arith.mulf %max3A_93, %div3A_213 : vector<6400x32xf32>
    %dot_general3A_215 = arith.constant dense<0.000000e+00> : vector<128x32xf32>
    %dot_general3A_216 = tpu.matmul %convert_element_type3A_168, %mul3A_214, %dot_general3A_215 {dimension_numbers = #tpu.dot_dimension_numbers<[1], [0], [0], [1], [0, 0, 1, 1], [], []>, transpose_lhs_hint = false} : vector<128x6400xf32>, vector<6400x32xf32>, vector<128x32xf32> -> vector<128x32xf32>
    %swap3A = arith.constant 0 : index
    %swap3A_217 = arith.constant 0 : index
    %swap3A_218 = vector.load %arg14[%swap3A, %swap3A_217] : memref<128x32xf32, #tpu.memory_space<vmem>>, vector<128x32xf32>
    tpu.vector_store %arg14[%swap3A, %swap3A_217], %dot_general3A_216 {strides = array<i32>} : memref<128x32xf32, #tpu.memory_space<vmem>>, vector<128x32xf32>,
    return
  }
  func.func @transform_0(%arg0: i32) -> (i32, i32) {
    %c0_i32 = arith.constant 0 : i32
    %c0_i32_0 = arith.constant 0 : i32
    return %arg0, %c0_i32 : i32, i32
  }
  func.func @transform_1(%arg0: i32) -> (i32, i32) {
    %c0_i32 = arith.constant 0 : i32
    %c0_i32_0 = arith.constant 0 : i32
    return %arg0, %c0_i32 : i32, i32
  }
  func.func @transform_2(%arg0: i32) -> (i32, i32) {
    %c0_i32 = arith.constant 0 : i32
    %c0_i32_0 = arith.constant 0 : i32
    return %arg0, %c0_i32 : i32, i32
  }
  func.func @transform_3(%arg0: i32) -> (i32, i32) {
    %c0_i32 = arith.constant 0 : i32
    %c0_i32_0 = arith.constant 0 : i32
    %c0_i32_1 = arith.constant 0 : i32
    return %c0_i32, %c0_i32_0 : i32, i32
  }
  func.func @transform_4(%arg0: i32) -> (i32, i32) {
    %c0_i32 = arith.constant 0 : i32
    %c0_i32_0 = arith.constant 0 : i32
    %c0_i32_1 = arith.constant 0 : i32
    return %c0_i32, %c0_i32_0 : i32, i32
  }
  func.func @transform_5(%arg0: i32) -> (i32, i32) {
    %c0_i32 = arith.constant 0 : i32
    %c0_i32_0 = arith.constant 0 : i32
    %c0_i32_1 = arith.constant 0 : i32
    return %c0_i32, %c0_i32_0 : i32, i32
  }
  func.func @transform_6(%arg0: i32) -> (i32, i32) {
    %c0_i32 = arith.constant 0 : i32
    %c0_i32_0 = arith.constant 0 : i32
    %c0_i32_1 = arith.constant 0 : i32
    return %c0_i32, %c0_i32_0 : i32, i32
  }
  func.func @transform_7(%arg0: i32) -> (i32, i32) {
    %c0_i32 = arith.constant 0 : i32
    %c0_i32_0 = arith.constant 0 : i32
    %c0_i32_1 = arith.constant 0 : i32
    return %c0_i32, %c0_i32_0 : i32, i32
  }
  func.func @transform_8(%arg0: i32) -> (i32, i32) {
    %c0_i32 = arith.constant 0 : i32
    %c0_i32_0 = arith.constant 0 : i32
    %c0_i32_1 = arith.constant 0 : i32
    return %c0_i32, %c0_i32_0 : i32, i32
  }
  func.func @transform_9(%arg0: i32) -> (i32, i32) {
    %c0_i32 = arith.constant 0 : i32
    %c0_i32_0 = arith.constant 0 : i32
    %c0_i32_1 = arith.constant 0 : i32
    return %c0_i32, %c0_i32_0 : i32, i32
  }
  func.func @transform_10(%arg0: i32) -> (i32, i32) {
    %c0_i32 = arith.constant 0 : i32
    %c0_i32_0 = arith.constant 0 : i32
    %c0_i32_1 = arith.constant 0 : i32
    return %c0_i32, %c0_i32_0 : i32, i32
  }
  func.func @transform_11(%arg0: i32) -> (i32, i32) {
    %c0_i32 = arith.constant 0 : i32
    %c0_i32_0 = arith.constant 0 : i32
    %c0_i32_1 = arith.constant 0 : i32
    return %c0_i32, %c0_i32_0 : i32, i32
  }
  func.func @transform_12(%arg0: i32) -> (i32, i32) {
    %c0_i32 = arith.constant 0 : i32
    %c0_i32_0 = arith.constant 0 : i32
    %c0_i32_1 = arith.constant 0 : i32
    return %c0_i32, %c0_i32_0 : i32, i32
  }
  func.func @transform_13(%arg0: i32) -> (i32, i32) {
    %c0_i32 = arith.constant 0 : i32
    %c0_i32_0 = arith.constant 0 : i32
    return %arg0, %c0_i32 : i32, i32
  }
}

</mosaic_0001>

<sc_bundles>
// kernel: kernel.4.cloned.1.call-start
scs
__scs_entry_jumppad:
0x0: {  	(pc) =	sbr.rel $0x88, $3  }
0x1: {  	(tag) =	ssettag $0x0;
	lr =	simm.s32 $0x1  }
0x2: {  	[smem:$0x3F92] =	sst lr;
	_ =	strace $0xD0000000  }
0x3: {  	_ = 	snop  }
0x4: {  	_ = 	snop  }
0x5: {  	_ = 	snop  }
0x6: {  	_ = 	snop  }
0x7: {  	_ = 	snop  }
__scs_overlays_trampoline_lowered:
0x8: {  	[smem:$0x3FA1] =	sst s0  }
0x9: {  	[smem:$0x3FA2] =	sst s1  }
0xa: {  	[smem:$0x3FA3] =	sst s2  }
0xb: {  	[smem:$0x3FA4] =	sst s3  }
0xc: {  	[smem:$0x3FA5] =	sst s4  }
0xd: {  	[smem:$0x3FA6] =	sst s5  }
0xe: {  	[smem:$0x3FA7] =	sst s6  }
0xf: {  	[smem:$0x3FA8] =	sst s7  }
0x10: {  	[smem:$0x3FA9] =	sst s8  }
0x11: {  	[smem:$0x3FAA] =	sst s9;
	s0 =	simm.s32 @!p0 $0x0  }
0x12: {  	s1 =	sld [smem:$0x3F90];
	s0 =	simm.s32 @p0 $0x1  }
0x13: {  	[smem:$0x3FAB] =	sst s0;
	s0 =	simm.s32 @!p1 $0x0  }
0x14: {  	s2 =	sld [smem:$0x3F8F];
	s0 =	simm.s32 @p1 $0x1  }
0x15: {  	[smem:$0x3FAC] =	sst s0;
	s0 =	simm.s32 @!p2 $0x0  }
0x16: {  	s3 =	sld [smem:$0x3FDB];
	s0 =	simm.s32 @p2 $0x1  }
0x17: {  	s4 =	simm.s32 $0x1BF5;
	[smem:$0x3FAE] =	sst s0  }
0x18: {  	s0 =	sld [smem:$0x3F91];
	_ =	swait.ge [sflag:s4], $0x0  }
0x19: {  	s7 =	sld [smem:$0x3F92]  }
0x1a: {  	s8 =	sadd.s32 $0xFFFFE003, lr  }
0x1b: {  	s9 =	sadd.s32 $0xFFFFFEF7, lr;
	s5 =	simm.s32 $0xFFFFFFFF;
	p2 =	slt.u32 s8, $0xFFFFF086  }
0x1c: {  	p1 =	slt.u32 s9, $0xF7A;
	s5 =	simm.s32 @!p2 $0x0  }
0x1d: {  	s5 =	simm.s32 @p1 $0x1;
	p0 =	seq.s32 s7, s2  }
0x1e: {  	s7 =	smul.u32 @!p0 $0xF7A, s2;
	p2 =	seq.s32 @!p0 s5, $0x0  }
0x1f: {  	s9 =	smul.u32 $0xF7A, s1;
	s8 =	simm.s32 @!p0 $0x1BF5;
	p2 =	por !p2, p0  }
0x20: {  	[sflag:s8] =	ssyncset.s32 @!p0 $0xFFFFF086;
	s6 =	sadd.s32 @!p0 s3, s7;
	s7 =	simm.s32 @!p0 $0x108  }
0x21: {  	s3 =	sadd.s32 s3, s9;
	s6 =	sadd.s32 @!p0 $0x88, s6;
	s7 =	simm.s32 @p2 $0x1082  }
0x22: {  	[simem:s7], [sflag:s8] =	dma.local @!p0 [hbm:s6], $0xF7A  }
0x23: {  	s9 =	sor.u32 $0xD0000000, s2;
	s6 =	simm.s32 $0x108;
	_ =	swait.ge @!p0 [sflag:s8], $0x0  }
0x24: {  	s3 =	sadd.s32 $0x88, s3;
	s6 =	simm.s32 @!p1 $0x1082;
	[sflag:s4] =	ssyncset.s32 $0xFFFFF086  }
0x25: {  	[simem:s6], [sflag:s4] =	dma.local [hbm:s3], $0xF7A  }
0x26: {  	[smem:$0x3F92] =	sst s1;
	(tag) =	ssettag s2;
	_ =	strace s9  }
0x27: {  	s1 =	sld [smem:$0x3FA2]  }
0x28: {  	s2 =	sld [smem:$0x3FA3]  }
0x29: {  	s4 =	sld [smem:$0x3FA5]  }
0x2a: {  	p0 =	seq.s32 s5, $0x0;
	s5 =	sld [smem:$0x3FA6]  }
0x2b: {  	s6 =	sld [smem:$0x3FA7]  }
0x2c: {  	s7 =	sld [smem:$0x3FA8]  }
0x2d: {  	s3 =	simm.s32 $0x108;
	s8 =	sld [smem:$0x3FA9]  }
0x2e: {  	s3 =	simm.s32 @!p0 $0x1082;
	s9 =	sld [smem:$0x3FAA]  }
0x2f: {  	lr =	sadd.s32 s0, s3;
	s0 =	sld [smem:$0x3FA1]  }
0x30: {  	s3 =	sld [smem:$0x3FA4]  }
0x31: {  	[smem:$0x3FAD] =	sst s10  }
0x32: {  	s10 =	sld [smem:$0x3FAB];
	_ =	sdelay $0x3  }
0x33: {  	p0 =	seq.s32 s10, $0x1;
	s10 =	sld [smem:$0x3FAD];
	_ =	sdelay $0x3  }
0x34: {  	[smem:$0x3FAD] =	sst s10  }
0x35: {  	s10 =	sld [smem:$0x3FAC];
	_ =	sdelay $0x3  }
0x36: {  	p1 =	seq.s32 s10, $0x1;
	s10 =	sld [smem:$0x3FAD];
	_ =	sdelay $0x3  }
0x37: {  	[smem:$0x3FAD] =	sst s10  }
0x38: {  	s10 =	sld [smem:$0x3FAE]  }
0x39: {  	_ = 	snop;
	(pc) =	sbr.ind lr, $3  }
0x3a: {  	_ = 	snop  }
0x3b: {  	_ = 	snop  }
0x3c: {  	p2 =	seq.s32 s10, $0x1;
	s10 =	sld [smem:$0x3FAD]  }
0x3d: {  	_ =	shalt  }
0x3e: {  	_ =	shalt  }
0x3f: {  	_ =	shalt  }
0x40: {  	_ =	shalt  }
0x41: {  	_ =	shalt  }
0x42: {  	_ =	shalt  }
0x43: {  	_ =	shalt  }
0x44: {  	_ =	shalt  }
0x45: {  	_ =	shalt  }
0x46: {  	_ =	shalt  }
0x47: {  	_ =	shalt  }
0x48: {  	_ =	shalt  }
0x49: {  	_ =	shalt  }
0x4a: {  	_ =	shalt  }
0x4b: {  	_ =	shalt  }
0x4c: {  	_ =	shalt  }
0x4d: {  	_ =	shalt  }
0x4e: {  	_ =	shalt  }
0x4f: {  	_ =	shalt  }
0x50: {  	_ =	shalt  }
0x51: {  	_ =	shalt  }
0x52: {  	_ =	shalt  }
0x53: {  	_ =	shalt  }
0x54: {  	_ =	shalt  }
0x55: {  	_ =	shalt  }
0x56: {  	_ =	shalt  }
0x57: {  	_ =	shalt  }
0x58: {  	_ =	shalt  }
0x59: {  	_ =	shalt  }
0x5a: {  	_ =	shalt  }
0x5b: {  	_ =	shalt  }
0x5c: {  	_ =	shalt  }
0x5d: {  	_ =	shalt  }
0x5e: {  	_ =	shalt  }
0x5f: {  	_ =	shalt  }
0x60: {  	_ =	shalt  }
0x61: {  	_ =	shalt  }
0x62: {  	_ =	shalt  }
0x63: {  	_ =	shalt  }
0x64: {  	_ =	shalt  }
0x65: {  	_ =	shalt  }
0x66: {  	_ =	shalt  }
0x67: {  	_ =	shalt  }
0x68: {  	_ =	shalt  }
0x69: {  	_ =	shalt  }
0x6a: {  	_ =	shalt  }
0x6b: {  	_ =	shalt  }
0x6c: {  	_ =	shalt  }
0x6d: {  	_ =	shalt  }
0x6e: {  	_ =	shalt  }
0x6f: {  	_ =	shalt  }
0x70: {  	_ =	shalt  }
0x71: {  	_ =	shalt  }
0x72: {  	_ =	shalt  }
0x73: {  	_ =	shalt  }
0x74: {  	_ =	shalt  }
0x75: {  	_ =	shalt  }
0x76: {  	_ =	shalt  }
0x77: {  	_ =	shalt  }
0x78: {  	_ =	shalt  }
0x79: {  	_ =	shalt  }
0x7a: {  	_ =	shalt  }
0x7b: {  	_ =	shalt  }
0x7c: {  	_ =	shalt  }
0x7d: {  	_ =	shalt  }
0x7e: {  	_ =	shalt  }
0x7f: {  	_ =	shalt  }
0x80: {  	_ =	shalt  }
0x81: {  	_ =	shalt  }
0x82: {  	_ =	shalt  }
0x83: {  	_ =	shalt  }
0x84: {  	_ =	shalt  }
0x85: {  	_ =	shalt  }
0x86: {  	_ =	shalt  }
0x87: {  	_ =	shalt  }
.Lfunc_end0:
.L_simem_size_0:
called_computation_lowered:
.L_overlay_start_0:
0x88: {  	s2 =	sld [smem:$0x3FD9]  }
0x89: {  	s3 =	sld [smem:$0x3FFE];
	_ =	sdelay $0x1  }
0x8a: {  	s1 =	srdreg.scid  }
0x8b: {  	s0 =	sand.u32 $0x1, s1  }
0x8c: {  	s17 =	sshll.u32 s0, $0xA;
	s2 =	sadd.s32 s3, s2  }
0x8d: {  	s2 =	sadd.s32 s2, s17  }
0x8e: {  	[smem:$0x3FB9] =	sst s2  }
0x8f: {  	_ = 	snop  }
0x90: {  	s2 =	sld [smem:$0x3FC9]  }
0x91: {  	s18 =	sld [smem:$0x3FD0];
	(tm) =	ssettm $0x1  }
0x92: {  	s4 =	sld [smem:$0x3FFB];
	_ =	sdelay $0x3  }
0x93: {  	_ =	strace s4  }
0x94: {  	s4 =	sld [smem:$0x3FFC];
	_ =	sdelay $0x3  }
0x95: {  	_ =	strace s4  }
0x96: {  	s4 =	sld [smem:$0x3FFD];
	_ =	sdelay $0x3  }
0x97: {  	_ =	strace s4  }
0x98: {  	_ =	strace $0x8FFFFFFF  }
0x99: {  	s19 =	sld [smem:$0x3FDB];
	_ =	sdelay $0x1  }
0x9a: {  	s5 =	simm.s32 $_scs_section_size  }
0x9b: {  	s6 =	simm.s32 $_size__tile_overlayer_lowered;
	s7 =	simm.s32 $_tile_overlayer_lowered  }
0x9c: {  	s22 =	simm.s32 $0x1BFF;
	s21 =	sshll.u32 s7, $0x1;
	s4 =	sadd.s32 s5, s19  }
0x9d: {  	s8 =	simm.s32 $0x0;
	s20 =	sshll.u32 s6, $0x1;
	s6 =	sadd.s32 s21, s4  }
0x9e: {  	[timem:s8], [sflag:s22] =	dma.local [hbm:s6], s20  }
0x9f: {  	_ =	swait.ge [sflag:s22], s20  }
0xa0: {  	s5 =	ssub.s32 $0x0, s20;
	[sflag:s22] =	ssyncset.done $0x0  }
0xa1: {  	[sflag:s22] =	ssyncadd.s32 s5;
	_ =	sdelay $0x1  }
0xa2: {  	s23 =	simm.s32 $0x1B8B  }
0xa3: {  	_ =	swait.ge [sflag:s23], $0x1  }
0xa4: {  	[sflag:s23] =	ssyncset.done $0x0  }
0xa5: {  	s25 =	simm.s32 $0x1B8E;
	s24 =	sld [smem:$0x3FFE];
	[sflag:s23] =	ssyncadd.s32 $0xFFFFFFFF  }
0xa6: {  	s26 =	simm.s32 $execute0_lowered;
	[smem:$0x3FD2] =	sst s25  }
0xa7: {  	s6 =	sshll.u32 s26, $0x1;
	_ =	strace $0x80000046;
	[dreg:$0x1] =	wrdreg $0xFFFFFFFF  }
0xa8: {  	s28 =	simm.s32 $_size_execute0_lowered;
	s4 =	sadd.s32 s4, s6;
	[dreg:$0x0] =	wrdreg $0x0  }
0xa9: {  	s6 =	sshll.u32 s28, $0x1;
	[dreg:$0x2] =	wrdreg s4  }
0xaa: {  	[dreg:$0x3] =	wrdreg s6  }
0xab: {  	[dreg:$0x4] =	wrdreg $0xC0  }
0xac: {  	_ =	task [dreg:s8], $0x5FFFF  }
0xad: {  	[dreg:$0x1] =	wrdreg $0xFFFFFFFF  }
0xae: {  	[dreg:$0x0] =	wrdreg $0x60  }
0xaf: {  	[dreg:$0x2] =	wrdreg s24  }
0xb0: {  	[dreg:$0x3] =	wrdreg s2  }
0xb1: {  	[dreg:$0x4] =	wrdreg s18  }
0xb2: {  	[dreg:$0x5] =	wrdreg $0x9  }
0xb3: {  	_ =	task.clear_ibuf [dreg:s8], $0x6FFFF;
	_ =	strace $0x90000046  }
0xb4: {  	s29 =	simm.s32 $0x9;
	_ =	strace $0x80000048  }
0xb5: {  	_ =	swait.ge [sflag:s29], $0x1  }
0xb6: {  	[sflag:s29] =	ssyncadd.s32 $0xFFFFFFFF  }
0xb7: {  	_ =	strace $0x90000048  }
0xb8: {  	_ =	sfence  }
0xb9: {  	s30 =	sld [smem:$0x0];
	_ =	sdelay $0x2  }
0xba: {  	s31 =	sshll.u32 s1, $0xD;
	s1 =	sshrl.u32 s1, $0x2  }
0xbb: {  	s3 =	sand.u32 $0x4000, s31;
	s1 =	sadd.s32 s1, s30  }
0xbc: {  	s0 =	sor.u32 s3, s0;
	s1 =	sshll.u32 s1, $0x11  }
0xbd: {  	s0 =	sor.u32 s1, s0  }
0xbe: {  	s0 =	sadd.s32 $0x8F2B, s0  }
0xbf: {  	[sflag:s0] =	ssyncadd.remote.s32 $0x1  }
0xc0: {  	_ =	sfence.sel $0xFFFF  }
0xc1: {  	[dreg:$0x0] =	wrdreg $0xFFFFFFFF;
	(pc) =	sbr.abs _section_cstart, $3  }
0xc2: {  	[dreg:$0x1] =	wrdreg $0xFFFFFFFF  }
0xc3: {  	_ =	task.clear_ibuf [dreg:s8], $0x2FFFF;
	_ =	strace $0x9FFFFFFF  }
0xc4: {  	(tm) =	ssettm $0x7FFFFFFF  }
0xc5: {  	_ =	shalt  }
tec
execute0_lowered:
.L_overlay_start_1:
0x0: {  	(tag) =	ssettag $0x1  }
0x1: {  	s5 =	rddreg [dreg:$0x0]  }
0x2: {  	s1 =	srdreg.scid;
	s7 =	rddreg [dreg:$0x1]  }
0x3: {  	s0 =	stileid.u32;
	s9 =	rddreg [dreg:$0x2]  }
0x4: {  	s2 =	simm.s32 $0x0;
	s15 =	simm.s32 $0x1980;
	s16 =	simm.s32 $0x2  }
0x5: {  	s17 =	simm.s32 $0x2980;
	s18 =	simm.s32 $0x3;
	s19 =	simm.s32 $0x0  }
0x6: {  	s8 =	sand.u32 $0x1, s1;
	s29 =	sshll.u32 s0, $0x1;
	s1 =	rddreg [dreg:$0x3]  }
0x7: {  	[smem:$0x7FF] =	sst s2;
	s31 =	smul.u32 $0xC800, s0;
	s10 =	sor.u32 s8, s29  }
0x8: {  	_ =	strace $0x80000047;
	s11 =	ssub.s32 $0x2, s8;
	s14 =	smul.u32 $0x6400, s8  }
0x9: {  	s3 =	smul.u32 $0x1900, s10;
	s12 =	sshrl.u32 s11, $0x1;
	s30 =	sshll.u32 s10, $0x4  }
0xa: {  	s13 =	smul.u32 $0x6400, s10;
	s10 =	sshll.u32 s10, $0x9;
	s11 =	ssub.s32 s11, s12  }
0xb: {  	s7 =	sadd.s32 s7, s30;
	s8 =	sadd.s32 s9, s10;
	s12 =	simm.s32 $0x4  }
0xc: {  	s4 =	sshrl.u32 s3, $0x3;
	s3 =	sadd.s32 $0x1315000, s5;
	s9 =	smax.u32 s11, $0x1  }
0xd: {  	s6 =	sadd.s32 s4, s5;
	s4 =	sadd.s32 $0xF44600, s5;
	s5 =	sadd.s32 $0x8600, s5  }
0xe: {  	s11 =	sadd.s32 s14, s31;
	s14 =	simm.s32 $0x3980;
	s13 =	sadd.s32 s5, s13  }
0xf: {  	s6 =	sadd.s32 $0x2200, s6;
	s10 =	sadd.s32 $0x6200, s13;
	s13 =	simm.s32 $0x1900  }
.LBB2_1:
0x10: {  	[tilespmem:s2], [sflag:$0x4] =	stream.linear.gather [hbm4b:s6+s2], $0x1900, $0x38;
	[tilespmem:$0x4980] =	vst v63  }
0x11: {  	_ =	swait.ge [sflag:s12], $0x1900  }
0x12: {  	[sflag:s12] =	ssyncset.done $0x0  }
0x13: {  	[sflag:s12] =	ssyncadd.s32 $0xFFFFE700  }
0x14: {  	[tilespmem:s13], [sflag:$0x4] =	stream.linear.gather [hbm4b:s7+s2], $0x80, $0x38;
	[tilespmem:$0x4980] =	vst v63  }
0x15: {  	_ =	swait.ge [sflag:s12], $0x80  }
0x16: {  	[sflag:s12] =	ssyncset.done $0x0  }
0x17: {  	s20 =	simm.s32 $0x80;
	s21 =	sand.u32 $0x1, s2;
	[sflag:s12] =	ssyncadd.s32 $0xFFFFFF80  }
0x18: {  	[tilespmem:s14], [sflag:$0x3] =	stream.indirect.gather [hbm4b:s4+s20], $0x20, s13, s20, $0xb8;
	[tilespmem:$0x4980] =	vst v63  }
0x19: {  	p1 =	seq.s32 s21, $0x1;
	p0 =	sne.s32 s21, $0x0  }
0x1a: {  	[tilespmem:s15], [sflag:$0x1] =	stream.indirect.gather [hbm4b:s3+s20], $0x20, s2, s20, $0xb8;
	[tilespmem:$0x4980] =	vst v63  }
0x1b: {  	p2 =	seq.s32 s21, $0x0;
	s22 =	simm.s32 @!p1 $0x80;
	s23 =	simm.s32 @!p1 $0x2980  }
0x1c: {  	[tilespmem:s23], [sflag:$0x2] =	stream.indirect.gather @!p1 [hbm4b:s3+s22], $0x20, s20, s22, $0xb8;
	[tilespmem:$0x4980] =	vst v63  }
0x1d: {  	s21 =	simm.s32 @!p2 $0x80;
	s22 =	simm.s32 @!p2 $0x1980;
	s23 =	simm.s32 @!p0 $0x1  }
0x1e: {  	[tilespmem:s22], [sflag:$0x1] =	stream.indirect.gather @!p2 [hbm4b:s3+s21], $0x20, s20, s21, $0xb8;
	[tilespmem:$0x4980] =	vst v63  }
0x1f: {  	s20 =	sand.u32 @!p0 $0x1FFFFC00, s11;
	_ =	swait.ge @!p0 [sflag:s23], $0x1000  }
0x20: {  	s21 =	simm.s32 @!p0 $0x5;
	s22 =	simm.s32 @!p0 $0x0;
	[sflag:s23] =	ssyncset.done @!p0 $0x0  }
0x21: {  	s20 =	sadd.s32 @!p0 s5, s20;
	[sflag:s23] =	ssyncadd.s32 @!p0 $0xFFFFF000;
	s23 =	simm.s32 @!p0 $0x1980  }
0x22: {  	[hbm4b:s20+s22] =	stream.linear.scatter @!p0 [tilespmem:s23], [sflag:$0x5], $0x1000, $0x38;
	[tilespmem:$0x4980] =	vst v63  }
0x23: {  	_ =	swait.ge @!p0 [sflag:s21], $0x1000  }
0x24: {  	p1 =	por p1, p1;
	[sflag:s21] =	ssyncset.done @!p0 $0x0  }
0x25: {  	s20 =	simm.s32 @p1 $0x2;
	[sflag:s21] =	ssyncadd.s32 @!p0 $0xFFFFF000  }
0x26: {  	s31 =	simm.s32 $0x1;
	_ =	swait.ge @p1 [sflag:s20], $0x1000  }
0x27: {  	s24 =	sadd.s32 @p1 s11, s5;
	s25 =	simm.s32 @p1 $0x0;
	[sflag:s20] =	ssyncset.done @p1 $0x0  }
0x28: {  	s22 =	simm.s32 $0x2;
	s21 =	simm.s32 @p1 $0x2980;
	[sflag:s20] =	ssyncadd.s32 @p1 $0xFFFFF000  }
0x29: {  	[hbm4b:s24+s25] =	stream.linear.scatter @p1 [tilespmem:s21], [sflag:$0x4], $0x1000, $0x38;
	[tilespmem:$0x4980] =	vst v63  }
0x2a: {  	s23 =	simm.s32 @p1 $0x4;
	s20 =	sadd.s32 $0x200, s11;
	s24 =	sand.u32 $0x1, s31  }
0x2b: {  	s21 =	simm.s32 $0x100;
	p2 =	seq.s32 s24, $0x1;
	p0 =	sne.s32 s24, $0x0  }
.LBB2_2:
0x2c: {  	s25 =	simm.s32 @!p2 $0x80;
	s26 =	simm.s32 @!p2 $0x2980  }
0x2d: {  	_ =	swait.ge @p1 [sflag:s23], $0x1000;
	s28 =	smov.u32 s22;
	s29 =	smov.u32 s20  }
0x2e: {  	s22 =	sadd.s32 $0x1, s22;
	s30 =	sand.u32 @!p0 $0x1FFFFC00, s20;
	[sflag:s23] =	ssyncset.done @p1 $0x0  }
0x2f: {  	p3 =	seq.s32 s24, $0x0;
	s24 =	sadd.s32 @!p0 s5, s30;
	[sflag:s23] =	ssyncadd.s32 @p1 $0xFFFFF000  }
0x30: {  	[tilespmem:s26], [sflag:$0x2] =	stream.indirect.gather @!p2 [hbm4b:s3+s25], $0x20, s21, s25, $0xb8;
	[tilespmem:$0x4980] =	vst v63  }
0x31: {  	s23 =	simm.s32 @!p3 $0x80;
	s25 =	simm.s32 @!p3 $0x1980;
	s26 =	simm.s32 @!p0 $0x1  }
0x32: {  	[tilespmem:s25], [sflag:$0x1] =	stream.indirect.gather @!p3 [hbm4b:s3+s23], $0x20, s21, s23, $0xb8;
	[tilespmem:$0x4980] =	vst v63  }
0x33: {  	p1 =	por p2, p2;
	p3 =	sne.s32 s22, $0x31;
	_ =	swait.ge @!p0 [sflag:s26], $0x1000  }
0x34: {  	s23 =	simm.s32 @!p0 $0x5;
	[sflag:s26] =	ssyncset.done @!p0 $0x0  }
0x35: {  	s25 =	simm.s32 @!p0 $0x0;
	[sflag:s26] =	ssyncadd.s32 @!p0 $0xFFFFF000;
	s26 =	simm.s32 @!p0 $0x1980  }
0x36: {  	[hbm4b:s24+s25] =	stream.linear.scatter @!p0 [tilespmem:s26], [sflag:$0x5], $0x1000, $0x38;
	[tilespmem:$0x4980] =	vst v63  }
0x37: {  	s25 =	simm.s32 @p1 $0x2;
	_ =	swait.ge @!p0 [sflag:s23], $0x1000  }
0x38: {  	s20 =	sadd.s32 $0x200, s20;
	s21 =	sadd.s32 $0x80, s21;
	[sflag:s23] =	ssyncset.done @!p0 $0x0  }
.Ltmp0:
0x39: {  	s26 =	simm.s32 @p1 $0x2980;
	[sflag:s23] =	ssyncadd.s32 @!p0 $0xFFFFF000;
	(pc) =	sbr.rel @p3 .LBB2_2-.Ltmp0, $4  }
0x3a: {  	s29 =	sadd.s32 @p1 s29, s5;
	s30 =	simm.s32 @p1 $0x0;
	_ =	swait.ge @p1 [sflag:s25], $0x1000  }
0x3b: {  	s24 =	sand.u32 $0x1, s28;
	s23 =	simm.s32 @p1 $0x4;
	[sflag:s25] =	ssyncset.done @p1 $0x0  }
0x3c: {  	p2 =	seq.s32 s24, $0x1;
	p0 =	sne.s32 s24, $0x0;
	[sflag:s25] =	ssyncadd.s32 @p1 $0xFFFFF000  }
0x3d: {  	[hbm4b:s29+s30] =	stream.linear.scatter @p1 [tilespmem:s26], [sflag:$0x4], $0x1000, $0x38;
	[tilespmem:$0x4980] =	vst v63  }
0x3e: {  	_ =	swait.ge @p1 [sflag:s23], $0x1000  }
0x3f: {  	s22 =	simm.s32 @!p2 $0x80;
	[sflag:s23] =	ssyncset.done @p1 $0x0  }
0x40: {  	s25 =	simm.s32 @!p2 $0x2980;
	p3 =	seq.s32 s24, $0x0;
	[sflag:s23] =	ssyncadd.s32 @p1 $0xFFFFF000  }
0x41: {  	[tilespmem:s25], [sflag:$0x2] =	stream.indirect.gather @!p2 [hbm4b:s3+s22], $0x20, s21, s22, $0xb8;
	[tilespmem:$0x4980] =	vst v63  }
0x42: {  	s24 =	simm.s32 @!p0 $0x1;
	s23 =	simm.s32 @!p3 $0x1980;
	s22 =	simm.s32 @!p3 $0x80  }
0x43: {  	[tilespmem:s23], [sflag:$0x1] =	stream.indirect.gather @!p3 [hbm4b:s3+s22], $0x20, s21, s22, $0xb8;
	[tilespmem:$0x4980] =	vst v63  }
0x44: {  	s21 =	sand.u32 @!p0 $0x1FFFFC00, s20;
	_ =	swait.ge @!p0 [sflag:s24], $0x1000  }
0x45: {  	s22 =	simm.s32 @!p0 $0x5;
	s23 =	simm.s32 @!p0 $0x0;
	[sflag:s24] =	ssyncset.done @!p0 $0x0  }
0x46: {  	s21 =	sadd.s32 @!p0 s5, s21;
	[sflag:s24] =	ssyncadd.s32 @!p0 $0xFFFFF000;
	s24 =	simm.s32 @!p0 $0x1980  }
0x47: {  	[hbm4b:s21+s23] =	stream.linear.scatter @!p0 [tilespmem:s24], [sflag:$0x5], $0x1000, $0x38;
	[tilespmem:$0x4980] =	vst v63  }
0x48: {  	_ =	swait.ge @!p0 [sflag:s22], $0x1000  }
0x49: {  	p1 =	por p2, p2;
	[sflag:s22] =	ssyncset.done @!p0 $0x0  }
0x4a: {  	s21 =	simm.s32 @p1 $0x2;
	[sflag:s22] =	ssyncadd.s32 @!p0 $0xFFFFF000  }
0x4b: {  	_ =	swait.ge @p1 [sflag:s21], $0x1000  }
0x4c: {  	s20 =	sadd.s32 @p1 s20, s5;
	s23 =	simm.s32 @p1 $0x0;
	[sflag:s21] =	ssyncset.done @p1 $0x0  }
0x4d: {  	s24 =	simm.s32 @p1 $0x4;
	s22 =	simm.s32 @p1 $0x2980;
	[sflag:s21] =	ssyncadd.s32 @p1 $0xFFFFF000  }
0x4e: {  	[hbm4b:s20+s23] =	stream.linear.scatter @p1 [tilespmem:s22], [sflag:$0x4], $0x1000, $0x38;
	[tilespmem:$0x4980] =	vst v63  }
0x4f: {  	_ =	swait.ge @p1 [sflag:s24], $0x1000  }
0x50: {  	[sflag:s24] =	ssyncset.done @p1 $0x0  }
0x51: {  	[sflag:s24] =	ssyncadd.s32 @p1 $0xFFFFF000  }
0x52: {  	_ =	swait.ge [sflag:s16], $0x1000  }
0x53: {  	[sflag:s16] =	ssyncset.done $0x0  }
0x54: {  	[sflag:s16] =	ssyncadd.s32 $0xFFFFF000  }
0x55: {  	[hbm4b:s10+s2] =	stream.linear.scatter [tilespmem:s17], [sflag:$0x4], $0x1000, $0x38;
	[tilespmem:$0x4980] =	vst v63  }
0x56: {  	_ =	swait.ge [sflag:s12], $0x1000  }
0x57: {  	[sflag:s12] =	ssyncset.done $0x0  }
0x58: {  	[sflag:s12] =	ssyncadd.s32 $0xFFFFF000  }
0x59: {  	s19 =	sadd.s32 $0x1, s19;
	_ =	swait.ge [sflag:s18], $0x1000  }
0x5a: {  	p0 =	sne.s32 s19, s9;
	[sflag:s18] =	ssyncset.done $0x0  }
.Ltmp1:
0x5b: {  	[sflag:s18] =	ssyncadd.s32 $0xFFFFF000;
	(pc) =	sbr.rel @p0 .LBB2_1-.Ltmp1, $4  }
0x5c: {  	[hbm4b:s8+s2] =	stream.linear.scatter [tilespmem:s14], [sflag:$0x4], $0x1000, $0x38;
	[tilespmem:$0x4980] =	vst v63  }
0x5d: {  	_ =	swait.ge [sflag:s12], $0x1000  }
0x5e: {  	[sflag:s12] =	ssyncset.done $0x0  }
0x5f: {  	[sflag:s12] =	ssyncadd.s32 $0xFFFFF000  }
0x60: {  	_ =	sfence.sel $0x180000  }
0x61: {  	[bflag:$0x0] =	sbarrier.arrive $0xFFFF  }
0x62: {  	p0 =	sne.s32 s0, $0x0;
	_ =	strace $0x90000047  }
0x63: {  	s0 =	sadd.s32 @!p0 $0x100000, s1;
	[bflag:$0x2] =	sbarrier.arrive $0xFFFF  }
0x64: {  	[sflag:s0] =	ssyncadd.tile.s32 @!p0 $0x1;
	_ =	shalt  }
.Lfunc_end2:
_tile_overlayer_lowered:
.L_overlay_start_2:
0x65: {  	(tag) =	ssettag $0x2  }
0x66: {  	s0 =	rddreg [dreg:$0x0];
	s2 =	stileid.u32  }
0x67: {  	s1 =	rddreg [dreg:$0x1];
	p0 =	sne.s32 s2, $0x0  }
0x68: {  	s3 =	rddreg [dreg:$0x2];
	[bflag:$0x3] =	sbarrier.arrive $0xFFFF;
	s2 =	simm.s32 @!p0 $0x1C04  }
0x69: {  	[timem:s3], [sflag:s2] =	dma.local @!p0 [hbm:s0], s1  }
0x6a: {  	s0 =	simm.s32 @!p0 $0x4  }
0x6b: {  	_ =	swait.ge @!p0 [sflag:s0], s1  }
0x6c: {  	s1 =	ssub.s32 @!p0 $0x0, s1;
	[sflag:s0] =	ssyncset.done @!p0 $0x0  }
0x6d: {  	[sflag:s0] =	ssyncadd.s32 @!p0 s1  }
0x6e: {  	[bflag:$0x3] =	sbarrier.arrive $0xFFFF  }
0x6f: {  	_ =	shalt  }

</sc_bundles>
